<compile_context>
chip_gen: v7x
topology: tpu7x:2x2x1
jax: 0.10.2.dev20260603
libtpu: 0.0.44.dev20260713+nightly
codegen_flags: <defaults>
</compile_context>

<pallas_src>
import functools

import jax
import jax.numpy as jnp
from jax import lax
from jax.experimental import pallas as pl
from jax.experimental.pallas import tpu as pltpu
from jax.experimental.pallas import tpu_sc as plsc

NC = 2
NS = 16
NW = NC * NS
IDX_W = 128
STREAMS = 4
CHUNK = IDX_W * STREAMS
NBUF = 2


@functools.partial(jax.jit, static_argnums=(2, 3))
def _sc_gather(table, idx2d, b, dim):
    b_per_w = b // NW
    rows_per_w = b_per_w // IDX_W
    n_chunks = b_per_w // CHUNK

    mesh = plsc.VectorSubcoreMesh(core_axis_name="c", subcore_axis_name="s")

    @functools.partial(
        pl.kernel,
        mesh=mesh,
        out_type=jax.ShapeDtypeStruct((b, dim), jnp.float32),
        scratch_types=[
            pltpu.VMEM((rows_per_w, IDX_W), jnp.int32),
            pltpu.VMEM((NBUF, CHUNK, dim), jnp.float32),
            pltpu.SemaphoreType.DMA((NBUF,)),
            pltpu.SemaphoreType.DMA((NBUF,)),
            pltpu.SemaphoreType.DMA,
        ],
        compiler_params=pltpu.CompilerParams(use_tc_tiling_on_sc=False),
    )
    def k(table_hbm, idx_hbm, out_hbm, idx_v, rows_v, gsem, wsem, isem):
        wid = lax.axis_index("s") * NC + lax.axis_index("c")
        base = wid * b_per_w

        pltpu.async_copy(
            idx_hbm.at[pl.ds(pl.multiple_of(base // IDX_W, 8), rows_per_w)],
            idx_v,
            isem,
        ).wait()

        def fire_gathers(c, buf):
            copies = []
            for i in range(STREAMS):
                copies.append(
                    pltpu.async_copy(
                        table_hbm.at[idx_v.at[c * STREAMS + i]],
                        rows_v.at[buf, pl.ds(i * IDX_W, IDX_W)],
                        gsem.at[buf],
                    )
                )
            return copies

        def fire_writeout(c, buf):
            off = pl.multiple_of(base + c * CHUNK, CHUNK)
            return pltpu.async_copy(
                rows_v.at[buf], out_hbm.at[pl.ds(off, CHUNK)], wsem.at[buf]
            )

        @pl.loop(0, n_chunks, step=NBUF)
        def _(j):
            gathers = [fire_gathers(j + bf, bf) for bf in range(NBUF)]
            writes = []
            for bf in range(NBUF):
                for g in gathers[bf]:
                    g.wait()
                writes.append(fire_writeout(j + bf, bf))
            for w in writes:
                w.wait()

    return k(table, idx2d)


def kernel(input_ids, embedding_matrix):
    batch, seq = input_ids.shape
    n_emb, dim = embedding_matrix.shape
    b = batch * seq
    idx2d = lax.rem(
        input_ids.astype(jnp.int32).reshape(b // IDX_W, IDX_W),
        jnp.int32(n_emb),
    )
    out = _sc_gather(embedding_matrix, idx2d, b, dim)
    return out.reshape(batch, seq, dim)

# --- scband reference (transcript-rebuilt; emitter-appended) ---
"""Pipeline reference for scband-embedding-74577812128570 (READ-ONLY COPY).

The authoritative reference and input builder live on the scoring server;
editing this copy changes nothing except your own understanding.
"""

import jax, jax.numpy as jnp
import numpy as np

NUM_EMBEDDINGS = 1000000
EMBEDDING_DIM = 64
BATCH = 4096
SEQ = 200

def setup_inputs(seed: int = 0) -> dict:
    key = jax.random.key(seed)
    k_idx, k_tab = jax.random.split(key)
    input_ids = jax.random.randint(k_idx, (BATCH, SEQ), 0, NUM_EMBEDDINGS, dtype=jnp.int64 if jax.config.jax_enable_x64 else jnp.int32)
    # trunc_normal(mean=0, std=1, a=-3, b=3) approximated with truncated normal
    table = jax.random.truncated_normal(k_tab, -3.0, 3.0, (NUM_EMBEDDINGS, EMBEDDING_DIM), dtype=jnp.float32)
    return {"input_ids": input_ids, "embedding_matrix": table}

def reference(input_ids, embedding_matrix):
    # embedding lookup: output [batch, seq, embedding_dim]
    return jnp.take(embedding_matrix, input_ids, axis=0)

if __name__ == "__main__":
    import jax
    _d = setup_inputs()
    print(jax.jit(kernel)(*tuple(_d.values())))

</pallas_src>

<mosaic_0001>
#map = affine_map<(d0, d1) -> (0, 0)>
module attributes {stable_mosaic.version = 14 : i64} {
  func.func @k(%arg0: i32, %arg1: i32, %arg2: memref<1000000x64xf32, #tpu.memory_space<hbm>>, %arg3: memref<6400x128xi32, #tpu.memory_space<hbm>>, %arg4: memref<819200x64xf32, #tpu.memory_space<hbm>>, %arg5: memref<200x128xi32, #tpu.memory_space<vmem>>, %arg6: memref<2x512x64xf32, #tpu.memory_space<vmem>>, %arg7: memref<2x!tpu.dma_semaphore, #tpu.memory_space<semaphore_mem>>, %arg8: memref<2x!tpu.dma_semaphore, #tpu.memory_space<semaphore_mem>>, %arg9: memref<!tpu.dma_semaphore, #tpu.memory_space<semaphore_mem>>) attributes {dimension_semantics = [#tpu.dimension_semantics<core_parallel>, #tpu.dimension_semantics<subcore_parallel>], iteration_bounds = array<i64: 2, 16>, scalar_prefetch = 0 : i64, scratch_operands = 5 : i64, tpu.core_type = #tpu.core_type<sc_vector_subcore>, window_params = [{transform_indices = #map}, {transform_indices = #map}, {transform_indices = #map}]} {
    %mul3A = arith.constant 2 : i32
    %mul3A_0 = arith.muli %arg1, %mul3A : i32
    %add3A = arith.addi %mul3A_0, %arg0 : i32
    %mul3A_1 = arith.constant 25600 : i32
    %mul3A_2 = arith.muli %add3A, %mul3A_1 : i32
    %jit3A = arith.constant 128 : i32
    %div3A = arith.divsi %mul3A_2, %jit3A : i32
    %sign3A = arith.constant 0 : i32
    %sign3A_3 = arith.cmpi sgt, %mul3A_2, %sign3A : i32
    %sign3A_4 = arith.extui %sign3A_3 : i1 to i32
    %sign3A_5 = arith.constant 0 : i32
    %sign3A_6 = arith.cmpi slt, %mul3A_2, %sign3A_5 : i32
    %sign3A_7 = arith.extui %sign3A_6 : i1 to i32
    %sign3A_8 = arith.subi %sign3A_4, %sign3A_7 : i32
    %sign3A_9 = arith.constant 0 : i32
    %sign3A_10 = arith.cmpi sgt, %jit3A, %sign3A_9 : i32
    %sign3A_11 = arith.extui %sign3A_10 : i1 to i32
    %sign3A_12 = arith.constant 0 : i32
    %sign3A_13 = arith.cmpi slt, %jit3A, %sign3A_12 : i32
    %sign3A_14 = arith.extui %sign3A_13 : i1 to i32
    %sign3A_15 = arith.subi %sign3A_11, %sign3A_14 : i32
    %ne3A = arith.cmpi ne, %sign3A_8, %sign3A_15 : i32
    %rem3A = arith.remsi %mul3A_2, %jit3A : i32
    %ne3A_16 = arith.constant 0 : i32
    %ne3A_17 = arith.cmpi ne, %rem3A, %ne3A_16 : i32
    %and3A = arith.andi %ne3A, %ne3A_17 : i1
    %sub3A = arith.constant 1 : i32
    %sub3A_18 = arith.subi %div3A, %sub3A : i32
    %select_n3A = arith.select %and3A, %sub3A_18, %div3A : i32
    %multiple_of3A = tpu.assume_multiple %select_n3A, 8 : i32
    %dma_start3A = arith.constant 0 : i32
    %dma_start3A_19 = tpu.memref_slice %arg3[%multiple_of3A, %dma_start3A] : memref<6400x128xi32, #tpu.memory_space<hbm>> -> memref<200x128xi32, #tpu.memory_space<hbm>>
    %dma_start3A_20 = arith.constant 0 : i32
    %dma_start3A_21 = tpu.memref_slice %arg3[%multiple_of3A, %dma_start3A_20] : memref<6400x128xi32, #tpu.memory_space<hbm>> -> memref<200x128xi32, #tpu.memory_space<hbm>>
    tpu.enqueue_dma source(%dma_start3A_21 : memref<200x128xi32, #tpu.memory_space<hbm>>) target(%arg5 : memref<200x128xi32, #tpu.memory_space<vmem>>) target_semaphore(%arg9 : memref<!tpu.dma_semaphore, #tpu.memory_space<semaphore_mem>>)
    %dma_wait3A = arith.constant 0 : i32
    %dma_wait3A_22 = tpu.memref_slice %arg3[%multiple_of3A, %dma_wait3A] : memref<6400x128xi32, #tpu.memory_space<hbm>> -> memref<200x128xi32, #tpu.memory_space<hbm>>
    %dma_wait3A_23 = arith.constant 0 : i32
    %dma_wait3A_24 = tpu.memref_slice %arg3[%multiple_of3A, %dma_wait3A_23] : memref<6400x128xi32, #tpu.memory_space<hbm>> -> memref<200x128xi32, #tpu.memory_space<hbm>>
    tpu.wait_dma2 semaphore(%arg9 : memref<!tpu.dma_semaphore, #tpu.memory_space<semaphore_mem>>) src(%dma_wait3A_24 : memref<200x128xi32, #tpu.memory_space<hbm>>) dst(%arg5 : memref<200x128xi32, #tpu.memory_space<vmem>>)
    %scan3A = arith.constant 0 : i32
    %scan3A_25 = arith.constant 25 : i32
    %scan3A_26 = arith.addi %scan3A, %scan3A_25 : i32
    %scan3A_27 = arith.constant 1 : i32
    scf.for %scan3A_29 = %scan3A to %scan3A_26 step %scan3A_27  : i32 {
      %mul3A_30 = arith.constant 2 : i32
      %mul3A_31 = arith.muli %scan3A_29, %mul3A_30 : i32
      %add3A_32 = arith.constant 0 : i32
      %add3A_33 = arith.addi %add3A_32, %mul3A_31 : i32
      %add3A_34 = arith.constant 0 : i32
      %add3A_35 = arith.addi %add3A_33, %add3A_34 : i32
      %mul3A_36 = arith.constant 4 : i32
      %mul3A_37 = arith.muli %add3A_35, %mul3A_36 : i32
      %add3A_38 = arith.constant 0 : i32
      %add3A_39 = arith.addi %mul3A_37, %add3A_38 : i32
      %dma_start3A_40 = arith.constant 0 : i32
      %dma_start3A_41 = arith.constant 0 : i32
      %dma_start3A_42 = arith.constant 0 : i32
      %dma_start3A_43 = arith.constant 0 : i32
      %dma_start3A_44 = tpu.memref_slice %arg6[%dma_start3A_40, %dma_start3A_42, %dma_start3A_43] : memref<2x512x64xf32, #tpu.memory_space<vmem>> -> memref<1x128x64xf32, #tpu.memory_space<vmem>>
      %dma_start3A_45 = tpu.memref_squeeze %dma_start3A_44 : memref<1x128x64xf32, #tpu.memory_space<vmem>> -> memref<128x64xf32, #tpu.memory_space<vmem>>
      %dma_start3A_46 = arith.constant 0 : i32
      %dma_start3A_47 = tpu.memref_slice %arg5[%add3A_39, %dma_start3A_46] : memref<200x128xi32, #tpu.memory_space<vmem>> -> memref<1x128xi32, #tpu.memory_space<vmem>>
      %dma_start3A_48 = tpu.memref_squeeze %dma_start3A_47 : memref<1x128xi32, #tpu.memory_space<vmem>> -> memref<128xi32, #tpu.memory_space<vmem>>
      %dma_start3A_49 = arith.constant 0 : i32
      %dma_start3A_50 = arith.constant 0 : i32
      %dma_start3A_51 = tpu.memref_slice %arg2[%dma_start3A_49, %dma_start3A_50] : memref<1000000x64xf32, #tpu.memory_space<hbm>> -> memref<1000000x64xf32, #tpu.memory_space<hbm>>
      %dma_start3A_52 = tpu.memref_slice %arg7[%dma_start3A_41] : memref<2x!tpu.dma_semaphore, #tpu.memory_space<semaphore_mem>> -> memref<1x!tpu.dma_semaphore, #tpu.memory_space<semaphore_mem>>
      %dma_start3A_53 = tpu.memref_squeeze %dma_start3A_52 : memref<1x!tpu.dma_semaphore, #tpu.memory_space<semaphore_mem>> -> memref<!tpu.dma_semaphore, #tpu.memory_space<semaphore_mem>>
      tpu.enqueue_indirect_dma source(%dma_start3A_51 : memref<1000000x64xf32, #tpu.memory_space<hbm>>) target(%dma_start3A_45 : memref<128x64xf32, #tpu.memory_space<vmem>>) offsets(%dma_start3A_48 : memref<128xi32, #tpu.memory_space<vmem>>) semaphore(%dma_start3A_53 : memref<!tpu.dma_semaphore, #tpu.memory_space<semaphore_mem>>)
      %mul3A_54 = arith.constant 4 : i32
      %mul3A_55 = arith.muli %add3A_35, %mul3A_54 : i32
      %add3A_56 = arith.constant 1 : i32
      %add3A_57 = arith.addi %mul3A_55, %add3A_56 : i32
      %dma_start3A_58 = arith.constant 0 : i32
      %dma_start3A_59 = arith.constant 0 : i32
      %dma_start3A_60 = arith.constant 128 : i32
      %dma_start3A_61 = arith.constant 0 : i32
      %dma_start3A_62 = tpu.memref_slice %arg6[%dma_start3A_58, %dma_start3A_60, %dma_start3A_61] : memref<2x512x64xf32, #tpu.memory_space<vmem>> -> memref<1x128x64xf32, #tpu.memory_space<vmem>>
      %dma_start3A_63 = tpu.memref_squeeze %dma_start3A_62 : memref<1x128x64xf32, #tpu.memory_space<vmem>> -> memref<128x64xf32, #tpu.memory_space<vmem>>
      %dma_start3A_64 = arith.constant 0 : i32
      %dma_start3A_65 = tpu.memref_slice %arg5[%add3A_57, %dma_start3A_64] : memref<200x128xi32, #tpu.memory_space<vmem>> -> memref<1x128xi32, #tpu.memory_space<vmem>>
      %dma_start3A_66 = tpu.memref_squeeze %dma_start3A_65 : memref<1x128xi32, #tpu.memory_space<vmem>> -> memref<128xi32, #tpu.memory_space<vmem>>
      %dma_start3A_67 = arith.constant 0 : i32
      %dma_start3A_68 = arith.constant 0 : i32
      %dma_start3A_69 = tpu.memref_slice %arg2[%dma_start3A_67, %dma_start3A_68] : memref<1000000x64xf32, #tpu.memory_space<hbm>> -> memref<1000000x64xf32, #tpu.memory_space<hbm>>
      %dma_start3A_70 = tpu.memref_slice %arg7[%dma_start3A_59] : memref<2x!tpu.dma_semaphore, #tpu.memory_space<semaphore_mem>> -> memref<1x!tpu.dma_semaphore, #tpu.memory_space<semaphore_mem>>
      %dma_start3A_71 = tpu.memref_squeeze %dma_start3A_70 : memref<1x!tpu.dma_semaphore, #tpu.memory_space<semaphore_mem>> -> memref<!tpu.dma_semaphore, #tpu.memory_space<semaphore_mem>>
      tpu.enqueue_indirect_dma source(%dma_start3A_69 : memref<1000000x64xf32, #tpu.memory_space<hbm>>) target(%dma_start3A_63 : memref<128x64xf32, #tpu.memory_space<vmem>>) offsets(%dma_start3A_66 : memref<128xi32, #tpu.memory_space<vmem>>) semaphore(%dma_start3A_71 : memref<!tpu.dma_semaphore, #tpu.memory_space<semaphore_mem>>)
      %mul3A_72 = arith.constant 4 : i32
      %mul3A_73 = arith.muli %add3A_35, %mul3A_72 : i32
      %add3A_74 = arith.constant 2 : i32
      %add3A_75 = arith.addi %mul3A_73, %add3A_74 : i32
      %dma_start3A_76 = arith.constant 0 : i32
      %dma_start3A_77 = arith.constant 0 : i32
      %dma_start3A_78 = arith.constant 256 : i32
      %dma_start3A_79 = arith.constant 0 : i32
      %dma_start3A_80 = tpu.memref_slice %arg6[%dma_start3A_76, %dma_start3A_78, %dma_start3A_79] : memref<2x512x64xf32, #tpu.memory_space<vmem>> -> memref<1x128x64xf32, #tpu.memory_space<vmem>>
      %dma_start3A_81 = tpu.memref_squeeze %dma_start3A_80 : memref<1x128x64xf32, #tpu.memory_space<vmem>> -> memref<128x64xf32, #tpu.memory_space<vmem>>
      %dma_start3A_82 = arith.constant 0 : i32
      %dma_start3A_83 = tpu.memref_slice %arg5[%add3A_75, %dma_start3A_82] : memref<200x128xi32, #tpu.memory_space<vmem>> -> memref<1x128xi32, #tpu.memory_space<vmem>>
      %dma_start3A_84 = tpu.memref_squeeze %dma_start3A_83 : memref<1x128xi32, #tpu.memory_space<vmem>> -> memref<128xi32, #tpu.memory_space<vmem>>
      %dma_start3A_85 = arith.constant 0 : i32
      %dma_start3A_86 = arith.constant 0 : i32
      %dma_start3A_87 = tpu.memref_slice %arg2[%dma_start3A_85, %dma_start3A_86] : memref<1000000x64xf32, #tpu.memory_space<hbm>> -> memref<1000000x64xf32, #tpu.memory_space<hbm>>
      %dma_start3A_88 = tpu.memref_slice %arg7[%dma_start3A_77] : memref<2x!tpu.dma_semaphore, #tpu.memory_space<semaphore_mem>> -> memref<1x!tpu.dma_semaphore, #tpu.memory_space<semaphore_mem>>
      %dma_start3A_89 = tpu.memref_squeeze %dma_start3A_88 : memref<1x!tpu.dma_semaphore, #tpu.memory_space<semaphore_mem>> -> memref<!tpu.dma_semaphore, #tpu.memory_space<semaphore_mem>>
      tpu.enqueue_indirect_dma source(%dma_start3A_87 : memref<1000000x64xf32, #tpu.memory_space<hbm>>) target(%dma_start3A_81 : memref<128x64xf32, #tpu.memory_space<vmem>>) offsets(%dma_start3A_84 : memref<128xi32, #tpu.memory_space<vmem>>) semaphore(%dma_start3A_89 : memref<!tpu.dma_semaphore, #tpu.memory_space<semaphore_mem>>)
      %mul3A_90 = arith.constant 4 : i32
      %mul3A_91 = arith.muli %add3A_35, %mul3A_90 : i32
      %add3A_92 = arith.constant 3 : i32
      %add3A_93 = arith.addi %mul3A_91, %add3A_92 : i32
      %dma_start3A_94 = arith.constant 0 : i32
      %dma_start3A_95 = arith.constant 0 : i32
      %dma_start3A_96 = arith.constant 384 : i32
      %dma_start3A_97 = arith.constant 0 : i32
      %dma_start3A_98 = tpu.memref_slice %arg6[%dma_start3A_94, %dma_start3A_96, %dma_start3A_97] : memref<2x512x64xf32, #tpu.memory_space<vmem>> -> memref<1x128x64xf32, #tpu.memory_space<vmem>>
      %dma_start3A_99 = tpu.memref_squeeze %dma_start3A_98 : memref<1x128x64xf32, #tpu.memory_space<vmem>> -> memref<128x64xf32, #tpu.memory_space<vmem>>
      %dma_start3A_100 = arith.constant 0 : i32
      %dma_start3A_101 = tpu.memref_slice %arg5[%add3A_93, %dma_start3A_100] : memref<200x128xi32, #tpu.memory_space<vmem>> -> memref<1x128xi32, #tpu.memory_space<vmem>>
      %dma_start3A_102 = tpu.memref_squeeze %dma_start3A_101 : memref<1x128xi32, #tpu.memory_space<vmem>> -> memref<128xi32, #tpu.memory_space<vmem>>
      %dma_start3A_103 = arith.constant 0 : i32
      %dma_start3A_104 = arith.constant 0 : i32
      %dma_start3A_105 = tpu.memref_slice %arg2[%dma_start3A_103, %dma_start3A_104] : memref<1000000x64xf32, #tpu.memory_space<hbm>> -> memref<1000000x64xf32, #tpu.memory_space<hbm>>
      %dma_start3A_106 = tpu.memref_slice %arg7[%dma_start3A_95] : memref<2x!tpu.dma_semaphore, #tpu.memory_space<semaphore_mem>> -> memref<1x!tpu.dma_semaphore, #tpu.memory_space<semaphore_mem>>
      %dma_start3A_107 = tpu.memref_squeeze %dma_start3A_106 : memref<1x!tpu.dma_semaphore, #tpu.memory_space<semaphore_mem>> -> memref<!tpu.dma_semaphore, #tpu.memory_space<semaphore_mem>>
      tpu.enqueue_indirect_dma source(%dma_start3A_105 : memref<1000000x64xf32, #tpu.memory_space<hbm>>) target(%dma_start3A_99 : memref<128x64xf32, #tpu.memory_space<vmem>>) offsets(%dma_start3A_102 : memref<128xi32, #tpu.memory_space<vmem>>) semaphore(%dma_start3A_107 : memref<!tpu.dma_semaphore, #tpu.memory_space<semaphore_mem>>)
      %add3A_108 = arith.constant 1 : i32
      %add3A_109 = arith.addi %add3A_33, %add3A_108 : i32
      %mul3A_110 = arith.constant 4 : i32
      %mul3A_111 = arith.muli %add3A_109, %mul3A_110 : i32
      %add3A_112 = arith.constant 0 : i32
      %add3A_113 = arith.addi %mul3A_111, %add3A_112 : i32
      %dma_start3A_114 = arith.constant 1 : i32
      %dma_start3A_115 = arith.constant 1 : i32
      %dma_start3A_116 = arith.constant 0 : i32
      %dma_start3A_117 = arith.constant 0 : i32
      %dma_start3A_118 = tpu.memref_slice %arg6[%dma_start3A_114, %dma_start3A_116, %dma_start3A_117] : memref<2x512x64xf32, #tpu.memory_space<vmem>> -> memref<1x128x64xf32, #tpu.memory_space<vmem>>
      %dma_start3A_119 = tpu.memref_squeeze %dma_start3A_118 : memref<1x128x64xf32, #tpu.memory_space<vmem>> -> memref<128x64xf32, #tpu.memory_space<vmem>>
      %dma_start3A_120 = arith.constant 0 : i32
      %dma_start3A_121 = tpu.memref_slice %arg5[%add3A_113, %dma_start3A_120] : memref<200x128xi32, #tpu.memory_space<vmem>> -> memref<1x128xi32, #tpu.memory_space<vmem>>
      %dma_start3A_122 = tpu.memref_squeeze %dma_start3A_121 : memref<1x128xi32, #tpu.memory_space<vmem>> -> memref<128xi32, #tpu.memory_space<vmem>>
      %dma_start3A_123 = arith.constant 0 : i32
      %dma_start3A_124 = arith.constant 0 : i32
      %dma_start3A_125 = tpu.memref_slice %arg2[%dma_start3A_123, %dma_start3A_124] : memref<1000000x64xf32, #tpu.memory_space<hbm>> -> memref<1000000x64xf32, #tpu.memory_space<hbm>>
      %dma_start3A_126 = tpu.memref_slice %arg7[%dma_start3A_115] : memref<2x!tpu.dma_semaphore, #tpu.memory_space<semaphore_mem>> -> memref<1x!tpu.dma_semaphore, #tpu.memory_space<semaphore_mem>>
      %dma_start3A_127 = tpu.memref_squeeze %dma_start3A_126 : memref<1x!tpu.dma_semaphore, #tpu.memory_space<semaphore_mem>> -> memref<!tpu.dma_semaphore, #tpu.memory_space<semaphore_mem>>
      tpu.enqueue_indirect_dma source(%dma_start3A_125 : memref<1000000x64xf32, #tpu.memory_space<hbm>>) target(%dma_start3A_119 : memref<128x64xf32, #tpu.memory_space<vmem>>) offsets(%dma_start3A_122 : memref<128xi32, #tpu.memory_space<vmem>>) semaphore(%dma_start3A_127 : memref<!tpu.dma_semaphore, #tpu.memory_space<semaphore_mem>>)
      %mul3A_128 = arith.constant 4 : i32
      %mul3A_129 = arith.muli %add3A_109, %mul3A_128 : i32
      %add3A_130 = arith.constant 1 : i32
      %add3A_131 = arith.addi %mul3A_129, %add3A_130 : i32
      %dma_start3A_132 = arith.constant 1 : i32
      %dma_start3A_133 = arith.constant 1 : i32
      %dma_start3A_134 = arith.constant 128 : i32
      %dma_start3A_135 = arith.constant 0 : i32
      %dma_start3A_136 = tpu.memref_slice %arg6[%dma_start3A_132, %dma_start3A_134, %dma_start3A_135] : memref<2x512x64xf32, #tpu.memory_space<vmem>> -> memref<1x128x64xf32, #tpu.memory_space<vmem>>
      %dma_start3A_137 = tpu.memref_squeeze %dma_start3A_136 : memref<1x128x64xf32, #tpu.memory_space<vmem>> -> memref<128x64xf32, #tpu.memory_space<vmem>>
      %dma_start3A_138 = arith.constant 0 : i32
      %dma_start3A_139 = tpu.memref_slice %arg5[%add3A_131, %dma_start3A_138] : memref<200x128xi32, #tpu.memory_space<vmem>> -> memref<1x128xi32, #tpu.memory_space<vmem>>
      %dma_start3A_140 = tpu.memref_squeeze %dma_start3A_139 : memref<1x128xi32, #tpu.memory_space<vmem>> -> memref<128xi32, #tpu.memory_space<vmem>>
      %dma_start3A_141 = arith.constant 0 : i32
      %dma_start3A_142 = arith.constant 0 : i32
      %dma_start3A_143 = tpu.memref_slice %arg2[%dma_start3A_141, %dma_start3A_142] : memref<1000000x64xf32, #tpu.memory_space<hbm>> -> memref<1000000x64xf32, #tpu.memory_space<hbm>>
      %dma_start3A_144 = tpu.memref_slice %arg7[%dma_start3A_133] : memref<2x!tpu.dma_semaphore, #tpu.memory_space<semaphore_mem>> -> memref<1x!tpu.dma_semaphore, #tpu.memory_space<semaphore_mem>>
      %dma_start3A_145 = tpu.memref_squeeze %dma_start3A_144 : memref<1x!tpu.dma_semaphore, #tpu.memory_space<semaphore_mem>> -> memref<!tpu.dma_semaphore, #tpu.memory_space<semaphore_mem>>
      tpu.enqueue_indirect_dma source(%dma_start3A_143 : memref<1000000x64xf32, #tpu.memory_space<hbm>>) target(%dma_start3A_137 : memref<128x64xf32, #tpu.memory_space<vmem>>) offsets(%dma_start3A_140 : memref<128xi32, #tpu.memory_space<vmem>>) semaphore(%dma_start3A_145 : memref<!tpu.dma_semaphore, #tpu.memory_space<semaphore_mem>>)
      %mul3A_146 = arith.constant 4 : i32
      %mul3A_147 = arith.muli %add3A_109, %mul3A_146 : i32
      %add3A_148 = arith.constant 2 : i32
      %add3A_149 = arith.addi %mul3A_147, %add3A_148 : i32
      %dma_start3A_150 = arith.constant 1 : i32
      %dma_start3A_151 = arith.constant 1 : i32
      %dma_start3A_152 = arith.constant 256 : i32
      %dma_start3A_153 = arith.constant 0 : i32
      %dma_start3A_154 = tpu.memref_slice %arg6[%dma_start3A_150, %dma_start3A_152, %dma_start3A_153] : memref<2x512x64xf32, #tpu.memory_space<vmem>> -> memref<1x128x64xf32, #tpu.memory_space<vmem>>
      %dma_start3A_155 = tpu.memref_squeeze %dma_start3A_154 : memref<1x128x64xf32, #tpu.memory_space<vmem>> -> memref<128x64xf32, #tpu.memory_space<vmem>>
      %dma_start3A_156 = arith.constant 0 : i32
      %dma_start3A_157 = tpu.memref_slice %arg5[%add3A_149, %dma_start3A_156] : memref<200x128xi32, #tpu.memory_space<vmem>> -> memref<1x128xi32, #tpu.memory_space<vmem>>
      %dma_start3A_158 = tpu.memref_squeeze %dma_start3A_157 : memref<1x128xi32, #tpu.memory_space<vmem>> -> memref<128xi32, #tpu.memory_space<vmem>>
      %dma_start3A_159 = arith.constant 0 : i32
      %dma_start3A_160 = arith.constant 0 : i32
      %dma_start3A_161 = tpu.memref_slice %arg2[%dma_start3A_159, %dma_start3A_160] : memref<1000000x64xf32, #tpu.memory_space<hbm>> -> memref<1000000x64xf32, #tpu.memory_space<hbm>>
      %dma_start3A_162 = tpu.memref_slice %arg7[%dma_start3A_151] : memref<2x!tpu.dma_semaphore, #tpu.memory_space<semaphore_mem>> -> memref<1x!tpu.dma_semaphore, #tpu.memory_space<semaphore_mem>>
      %dma_start3A_163 = tpu.memref_squeeze %dma_start3A_162 : memref<1x!tpu.dma_semaphore, #tpu.memory_space<semaphore_mem>> -> memref<!tpu.dma_semaphore, #tpu.memory_space<semaphore_mem>>
      tpu.enqueue_indirect_dma source(%dma_start3A_161 : memref<1000000x64xf32, #tpu.memory_space<hbm>>) target(%dma_start3A_155 : memref<128x64xf32, #tpu.memory_space<vmem>>) offsets(%dma_start3A_158 : memref<128xi32, #tpu.memory_space<vmem>>) semaphore(%dma_start3A_163 : memref<!tpu.dma_semaphore, #tpu.memory_space<semaphore_mem>>)
      %mul3A_164 = arith.constant 4 : i32
      %mul3A_165 = arith.muli %add3A_109, %mul3A_164 : i32
      %add3A_166 = arith.constant 3 : i32
      %add3A_167 = arith.addi %mul3A_165, %add3A_166 : i32
      %dma_start3A_168 = arith.constant 1 : i32
      %dma_start3A_169 = arith.constant 1 : i32
      %dma_start3A_170 = arith.constant 384 : i32
      %dma_start3A_171 = arith.constant 0 : i32
      %dma_start3A_172 = tpu.memref_slice %arg6[%dma_start3A_168, %dma_start3A_170, %dma_start3A_171] : memref<2x512x64xf32, #tpu.memory_space<vmem>> -> memref<1x128x64xf32, #tpu.memory_space<vmem>>
      %dma_start3A_173 = tpu.memref_squeeze %dma_start3A_172 : memref<1x128x64xf32, #tpu.memory_space<vmem>> -> memref<128x64xf32, #tpu.memory_space<vmem>>
      %dma_start3A_174 = arith.constant 0 : i32
      %dma_start3A_175 = tpu.memref_slice %arg5[%add3A_167, %dma_start3A_174] : memref<200x128xi32, #tpu.memory_space<vmem>> -> memref<1x128xi32, #tpu.memory_space<vmem>>
      %dma_start3A_176 = tpu.memref_squeeze %dma_start3A_175 : memref<1x128xi32, #tpu.memory_space<vmem>> -> memref<128xi32, #tpu.memory_space<vmem>>
      %dma_start3A_177 = arith.constant 0 : i32
      %dma_start3A_178 = arith.constant 0 : i32
      %dma_start3A_179 = tpu.memref_slice %arg2[%dma_start3A_177, %dma_start3A_178] : memref<1000000x64xf32, #tpu.memory_space<hbm>> -> memref<1000000x64xf32, #tpu.memory_space<hbm>>
      %dma_start3A_180 = tpu.memref_slice %arg7[%dma_start3A_169] : memref<2x!tpu.dma_semaphore, #tpu.memory_space<semaphore_mem>> -> memref<1x!tpu.dma_semaphore, #tpu.memory_space<semaphore_mem>>
      %dma_start3A_181 = tpu.memref_squeeze %dma_start3A_180 : memref<1x!tpu.dma_semaphore, #tpu.memory_space<semaphore_mem>> -> memref<!tpu.dma_semaphore, #tpu.memory_space<semaphore_mem>>
      tpu.enqueue_indirect_dma source(%dma_start3A_179 : memref<1000000x64xf32, #tpu.memory_space<hbm>>) target(%dma_start3A_173 : memref<128x64xf32, #tpu.memory_space<vmem>>) offsets(%dma_start3A_176 : memref<128xi32, #tpu.memory_space<vmem>>) semaphore(%dma_start3A_181 : memref<!tpu.dma_semaphore, #tpu.memory_space<semaphore_mem>>)
      %dma_wait3A_182 = arith.constant 0 : i32
      %dma_wait3A_183 = arith.constant 0 : i32
      %dma_wait3A_184 = arith.constant 0 : i32
      %dma_wait3A_185 = arith.constant 0 : i32
      %dma_wait3A_186 = tpu.memref_slice %arg6[%dma_wait3A_182, %dma_wait3A_184, %dma_wait3A_185] : memref<2x512x64xf32, #tpu.memory_space<vmem>> -> memref<1x128x64xf32, #tpu.memory_space<vmem>>
      %dma_wait3A_187 = tpu.memref_squeeze %dma_wait3A_186 : memref<1x128x64xf32, #tpu.memory_space<vmem>> -> memref<128x64xf32, #tpu.memory_space<vmem>>
      %dma_wait3A_188 = arith.constant 0 : i32
      %dma_wait3A_189 = tpu.memref_slice %arg5[%add3A_39, %dma_wait3A_188] : memref<200x128xi32, #tpu.memory_space<vmem>> -> memref<1x128xi32, #tpu.memory_space<vmem>>
      %dma_wait3A_190 = tpu.memref_squeeze %dma_wait3A_189 : memref<1x128xi32, #tpu.memory_space<vmem>> -> memref<128xi32, #tpu.memory_space<vmem>>
      %dma_wait3A_191 = arith.constant 0 : i32
      %dma_wait3A_192 = arith.constant 0 : i32
      %dma_wait3A_193 = tpu.memref_slice %arg2[%dma_wait3A_191, %dma_wait3A_192] : memref<1000000x64xf32, #tpu.memory_space<hbm>> -> memref<1000000x64xf32, #tpu.memory_space<hbm>>
      %dma_wait3A_194 = tpu.memref_slice %arg7[%dma_wait3A_183] : memref<2x!tpu.dma_semaphore, #tpu.memory_space<semaphore_mem>> -> memref<1x!tpu.dma_semaphore, #tpu.memory_space<semaphore_mem>>
      %dma_wait3A_195 = tpu.memref_squeeze %dma_wait3A_194 : memref<1x!tpu.dma_semaphore, #tpu.memory_space<semaphore_mem>> -> memref<!tpu.dma_semaphore, #tpu.memory_space<semaphore_mem>>
      tpu.wait_indirect_dma semaphore(%dma_wait3A_195 : memref<!tpu.dma_semaphore, #tpu.memory_space<semaphore_mem>>) src(%dma_wait3A_193 : memref<1000000x64xf32, #tpu.memory_space<hbm>>) dst(%dma_wait3A_187 : memref<128x64xf32, #tpu.memory_space<vmem>>)
      %dma_wait3A_196 = arith.constant 0 : i32
      %dma_wait3A_197 = arith.constant 0 : i32
      %dma_wait3A_198 = arith.constant 128 : i32
      %dma_wait3A_199 = arith.constant 0 : i32
      %dma_wait3A_200 = tpu.memref_slice %arg6[%dma_wait3A_196, %dma_wait3A_198, %dma_wait3A_199] : memref<2x512x64xf32, #tpu.memory_space<vmem>> -> memref<1x128x64xf32, #tpu.memory_space<vmem>>
      %dma_wait3A_201 = tpu.memref_squeeze %dma_wait3A_200 : memref<1x128x64xf32, #tpu.memory_space<vmem>> -> memref<128x64xf32, #tpu.memory_space<vmem>>
      %dma_wait3A_202 = arith.constant 0 : i32
      %dma_wait3A_203 = tpu.memref_slice %arg5[%add3A_57, %dma_wait3A_202] : memref<200x128xi32, #tpu.memory_space<vmem>> -> memref<1x128xi32, #tpu.memory_space<vmem>>
      %dma_wait3A_204 = tpu.memref_squeeze %dma_wait3A_203 : memref<1x128xi32, #tpu.memory_space<vmem>> -> memref<128xi32, #tpu.memory_space<vmem>>
      %dma_wait3A_205 = arith.constant 0 : i32
      %dma_wait3A_206 = arith.constant 0 : i32
      %dma_wait3A_207 = tpu.memref_slice %arg2[%dma_wait3A_205, %dma_wait3A_206] : memref<1000000x64xf32, #tpu.memory_space<hbm>> -> memref<1000000x64xf32, #tpu.memory_space<hbm>>
      %dma_wait3A_208 = tpu.memref_slice %arg7[%dma_wait3A_197] : memref<2x!tpu.dma_semaphore, #tpu.memory_space<semaphore_mem>> -> memref<1x!tpu.dma_semaphore, #tpu.memory_space<semaphore_mem>>
      %dma_wait3A_209 = tpu.memref_squeeze %dma_wait3A_208 : memref<1x!tpu.dma_semaphore, #tpu.memory_space<semaphore_mem>> -> memref<!tpu.dma_semaphore, #tpu.memory_space<semaphore_mem>>
      tpu.wait_indirect_dma semaphore(%dma_wait3A_209 : memref<!tpu.dma_semaphore, #tpu.memory_space<semaphore_mem>>) src(%dma_wait3A_207 : memref<1000000x64xf32, #tpu.memory_space<hbm>>) dst(%dma_wait3A_201 : memref<128x64xf32, #tpu.memory_space<vmem>>)
      %dma_wait3A_210 = arith.constant 0 : i32
      %dma_wait3A_211 = arith.constant 0 : i32
      %dma_wait3A_212 = arith.constant 256 : i32
      %dma_wait3A_213 = arith.constant 0 : i32
      %dma_wait3A_214 = tpu.memref_slice %arg6[%dma_wait3A_210, %dma_wait3A_212, %dma_wait3A_213] : memref<2x512x64xf32, #tpu.memory_space<vmem>> -> memref<1x128x64xf32, #tpu.memory_space<vmem>>
      %dma_wait3A_215 = tpu.memref_squeeze %dma_wait3A_214 : memref<1x128x64xf32, #tpu.memory_space<vmem>> -> memref<128x64xf32, #tpu.memory_space<vmem>>
      %dma_wait3A_216 = arith.constant 0 : i32
      %dma_wait3A_217 = tpu.memref_slice %arg5[%add3A_75, %dma_wait3A_216] : memref<200x128xi32, #tpu.memory_space<vmem>> -> memref<1x128xi32, #tpu.memory_space<vmem>>
      %dma_wait3A_218 = tpu.memref_squeeze %dma_wait3A_217 : memref<1x128xi32, #tpu.memory_space<vmem>> -> memref<128xi32, #tpu.memory_space<vmem>>
      %dma_wait3A_219 = arith.constant 0 : i32
      %dma_wait3A_220 = arith.constant 0 : i32
      %dma_wait3A_221 = tpu.memref_slice %arg2[%dma_wait3A_219, %dma_wait3A_220] : memref<1000000x64xf32, #tpu.memory_space<hbm>> -> memref<1000000x64xf32, #tpu.memory_space<hbm>>
      %dma_wait3A_222 = tpu.memref_slice %arg7[%dma_wait3A_211] : memref<2x!tpu.dma_semaphore, #tpu.memory_space<semaphore_mem>> -> memref<1x!tpu.dma_semaphore, #tpu.memory_space<semaphore_mem>>
      %dma_wait3A_223 = tpu.memref_squeeze %dma_wait3A_222 : memref<1x!tpu.dma_semaphore, #tpu.memory_space<semaphore_mem>> -> memref<!tpu.dma_semaphore, #tpu.memory_space<semaphore_mem>>
      tpu.wait_indirect_dma semaphore(%dma_wait3A_223 : memref<!tpu.dma_semaphore, #tpu.memory_space<semaphore_mem>>) src(%dma_wait3A_221 : memref<1000000x64xf32, #tpu.memory_space<hbm>>) dst(%dma_wait3A_215 : memref<128x64xf32, #tpu.memory_space<vmem>>)
      %dma_wait3A_224 = arith.constant 0 : i32
      %dma_wait3A_225 = arith.constant 0 : i32
      %dma_wait3A_226 = arith.constant 384 : i32
      %dma_wait3A_227 = arith.constant 0 : i32
      %dma_wait3A_228 = tpu.memref_slice %arg6[%dma_wait3A_224, %dma_wait3A_226, %dma_wait3A_227] : memref<2x512x64xf32, #tpu.memory_space<vmem>> -> memref<1x128x64xf32, #tpu.memory_space<vmem>>
      %dma_wait3A_229 = tpu.memref_squeeze %dma_wait3A_228 : memref<1x128x64xf32, #tpu.memory_space<vmem>> -> memref<128x64xf32, #tpu.memory_space<vmem>>
      %dma_wait3A_230 = arith.constant 0 : i32
      %dma_wait3A_231 = tpu.memref_slice %arg5[%add3A_93, %dma_wait3A_230] : memref<200x128xi32, #tpu.memory_space<vmem>> -> memref<1x128xi32, #tpu.memory_space<vmem>>
      %dma_wait3A_232 = tpu.memref_squeeze %dma_wait3A_231 : memref<1x128xi32, #tpu.memory_space<vmem>> -> memref<128xi32, #tpu.memory_space<vmem>>
      %dma_wait3A_233 = arith.constant 0 : i32
      %dma_wait3A_234 = arith.constant 0 : i32
      %dma_wait3A_235 = tpu.memref_slice %arg2[%dma_wait3A_233, %dma_wait3A_234] : memref<1000000x64xf32, #tpu.memory_space<hbm>> -> memref<1000000x64xf32, #tpu.memory_space<hbm>>
      %dma_wait3A_236 = tpu.memref_slice %arg7[%dma_wait3A_225] : memref<2x!tpu.dma_semaphore, #tpu.memory_space<semaphore_mem>> -> memref<1x!tpu.dma_semaphore, #tpu.memory_space<semaphore_mem>>
      %dma_wait3A_237 = tpu.memref_squeeze %dma_wait3A_236 : memref<1x!tpu.dma_semaphore, #tpu.memory_space<semaphore_mem>> -> memref<!tpu.dma_semaphore, #tpu.memory_space<semaphore_mem>>
      tpu.wait_indirect_dma semaphore(%dma_wait3A_237 : memref<!tpu.dma_semaphore, #tpu.memory_space<semaphore_mem>>) src(%dma_wait3A_235 : memref<1000000x64xf32, #tpu.memory_space<hbm>>) dst(%dma_wait3A_229 : memref<128x64xf32, #tpu.memory_space<vmem>>)
      %add3A_238 = arith.constant 0 : i32
      %add3A_239 = arith.addi %add3A_33, %add3A_238 : i32
      %mul3A_240 = arith.constant 512 : i32
      %mul3A_241 = arith.muli %add3A_239, %mul3A_240 : i32
      %add3A_242 = arith.addi %mul3A_2, %mul3A_241 : i32
      %multiple_of3A_243 = tpu.assume_multiple %add3A_242, 512 : i32
      %dma_start3A_244 = arith.constant 0 : i32
      %dma_start3A_245 = arith.constant 0 : i32
      %dma_start3A_246 = arith.constant 0 : i32
      %dma_start3A_247 = arith.constant 0 : i32
      %dma_start3A_248 = tpu.memref_slice %arg6[%dma_start3A_244, %dma_start3A_246, %dma_start3A_247] : memref<2x512x64xf32, #tpu.memory_space<vmem>> -> memref<1x512x64xf32, #tpu.memory_space<vmem>>
      %dma_start3A_249 = tpu.memref_squeeze %dma_start3A_248 : memref<1x512x64xf32, #tpu.memory_space<vmem>> -> memref<512x64xf32, #tpu.memory_space<vmem>>
      %dma_start3A_250 = arith.constant 0 : i32
      %dma_start3A_251 = tpu.memref_slice %arg4[%multiple_of3A_243, %dma_start3A_250] : memref<819200x64xf32, #tpu.memory_space<hbm>> -> memref<512x64xf32, #tpu.memory_space<hbm>>
      %dma_start3A_252 = tpu.memref_slice %arg8[%dma_start3A_245] : memref<2x!tpu.dma_semaphore, #tpu.memory_space<semaphore_mem>> -> memref<1x!tpu.dma_semaphore, #tpu.memory_space<semaphore_mem>>
      %dma_start3A_253 = tpu.memref_squeeze %dma_start3A_252 : memref<1x!tpu.dma_semaphore, #tpu.memory_space<semaphore_mem>> -> memref<!tpu.dma_semaphore, #tpu.memory_space<semaphore_mem>>
      %dma_start3A_254 = arith.constant 0 : i32
      %dma_start3A_255 = tpu.memref_slice %arg4[%multiple_of3A_243, %dma_start3A_254] : memref<819200x64xf32, #tpu.memory_space<hbm>> -> memref<512x64xf32, #tpu.memory_space<hbm>>
      %dma_start3A_256 = arith.constant 0 : i32
      %dma_start3A_257 = arith.constant 0 : i32
      %dma_start3A_258 = tpu.memref_slice %arg6[%dma_start3A_244, %dma_start3A_256, %dma_start3A_257] : memref<2x512x64xf32, #tpu.memory_space<vmem>> -> memref<1x512x64xf32, #tpu.memory_space<vmem>>
      %dma_start3A_259 = tpu.memref_squeeze %dma_start3A_258 : memref<1x512x64xf32, #tpu.memory_space<vmem>> -> memref<512x64xf32, #tpu.memory_space<vmem>>
      tpu.enqueue_dma source(%dma_start3A_259 : memref<512x64xf32, #tpu.memory_space<vmem>>) target(%dma_start3A_255 : memref<512x64xf32, #tpu.memory_space<hbm>>) target_semaphore(%dma_start3A_253 : memref<!tpu.dma_semaphore, #tpu.memory_space<semaphore_mem>>)
      %dma_wait3A_260 = arith.constant 1 : i32
      %dma_wait3A_261 = arith.constant 1 : i32
      %dma_wait3A_262 = arith.constant 0 : i32
      %dma_wait3A_263 = arith.constant 0 : i32
      %dma_wait3A_264 = tpu.memref_slice %arg6[%dma_wait3A_260, %dma_wait3A_262, %dma_wait3A_263] : memref<2x512x64xf32, #tpu.memory_space<vmem>> -> memref<1x128x64xf32, #tpu.memory_space<vmem>>
      %dma_wait3A_265 = tpu.memref_squeeze %dma_wait3A_264 : memref<1x128x64xf32, #tpu.memory_space<vmem>> -> memref<128x64xf32, #tpu.memory_space<vmem>>
      %dma_wait3A_266 = arith.constant 0 : i32
      %dma_wait3A_267 = tpu.memref_slice %arg5[%add3A_113, %dma_wait3A_266] : memref<200x128xi32, #tpu.memory_space<vmem>> -> memref<1x128xi32, #tpu.memory_space<vmem>>
      %dma_wait3A_268 = tpu.memref_squeeze %dma_wait3A_267 : memref<1x128xi32, #tpu.memory_space<vmem>> -> memref<128xi32, #tpu.memory_space<vmem>>
      %dma_wait3A_269 = arith.constant 0 : i32
      %dma_wait3A_270 = arith.constant 0 : i32
      %dma_wait3A_271 = tpu.memref_slice %arg2[%dma_wait3A_269, %dma_wait3A_270] : memref<1000000x64xf32, #tpu.memory_space<hbm>> -> memref<1000000x64xf32, #tpu.memory_space<hbm>>
      %dma_wait3A_272 = tpu.memref_slice %arg7[%dma_wait3A_261] : memref<2x!tpu.dma_semaphore, #tpu.memory_space<semaphore_mem>> -> memref<1x!tpu.dma_semaphore, #tpu.memory_space<semaphore_mem>>
      %dma_wait3A_273 = tpu.memref_squeeze %dma_wait3A_272 : memref<1x!tpu.dma_semaphore, #tpu.memory_space<semaphore_mem>> -> memref<!tpu.dma_semaphore, #tpu.memory_space<semaphore_mem>>
      tpu.wait_indirect_dma semaphore(%dma_wait3A_273 : memref<!tpu.dma_semaphore, #tpu.memory_space<semaphore_mem>>) src(%dma_wait3A_271 : memref<1000000x64xf32, #tpu.memory_space<hbm>>) dst(%dma_wait3A_265 : memref<128x64xf32, #tpu.memory_space<vmem>>)
      %dma_wait3A_274 = arith.constant 1 : i32
      %dma_wait3A_275 = arith.constant 1 : i32
      %dma_wait3A_276 = arith.constant 128 : i32
      %dma_wait3A_277 = arith.constant 0 : i32
      %dma_wait3A_278 = tpu.memref_slice %arg6[%dma_wait3A_274, %dma_wait3A_276, %dma_wait3A_277] : memref<2x512x64xf32, #tpu.memory_space<vmem>> -> memref<1x128x64xf32, #tpu.memory_space<vmem>>
      %dma_wait3A_279 = tpu.memref_squeeze %dma_wait3A_278 : memref<1x128x64xf32, #tpu.memory_space<vmem>> -> memref<128x64xf32, #tpu.memory_space<vmem>>
      %dma_wait3A_280 = arith.constant 0 : i32
      %dma_wait3A_281 = tpu.memref_slice %arg5[%add3A_131, %dma_wait3A_280] : memref<200x128xi32, #tpu.memory_space<vmem>> -> memref<1x128xi32, #tpu.memory_space<vmem>>
      %dma_wait3A_282 = tpu.memref_squeeze %dma_wait3A_281 : memref<1x128xi32, #tpu.memory_space<vmem>> -> memref<128xi32, #tpu.memory_space<vmem>>
      %dma_wait3A_283 = arith.constant 0 : i32
      %dma_wait3A_284 = arith.constant 0 : i32
      %dma_wait3A_285 = tpu.memref_slice %arg2[%dma_wait3A_283, %dma_wait3A_284] : memref<1000000x64xf32, #tpu.memory_space<hbm>> -> memref<1000000x64xf32, #tpu.memory_space<hbm>>
      %dma_wait3A_286 = tpu.memref_slice %arg7[%dma_wait3A_275] : memref<2x!tpu.dma_semaphore, #tpu.memory_space<semaphore_mem>> -> memref<1x!tpu.dma_semaphore, #tpu.memory_space<semaphore_mem>>
      %dma_wait3A_287 = tpu.memref_squeeze %dma_wait3A_286 : memref<1x!tpu.dma_semaphore, #tpu.memory_space<semaphore_mem>> -> memref<!tpu.dma_semaphore, #tpu.memory_space<semaphore_mem>>
      tpu.wait_indirect_dma semaphore(%dma_wait3A_287 : memref<!tpu.dma_semaphore, #tpu.memory_space<semaphore_mem>>) src(%dma_wait3A_285 : memref<1000000x64xf32, #tpu.memory_space<hbm>>) dst(%dma_wait3A_279 : memref<128x64xf32, #tpu.memory_space<vmem>>)
      %dma_wait3A_288 = arith.constant 1 : i32
      %dma_wait3A_289 = arith.constant 1 : i32
      %dma_wait3A_290 = arith.constant 256 : i32
      %dma_wait3A_291 = arith.constant 0 : i32
      %dma_wait3A_292 = tpu.memref_slice %arg6[%dma_wait3A_288, %dma_wait3A_290, %dma_wait3A_291] : memref<2x512x64xf32, #tpu.memory_space<vmem>> -> memref<1x128x64xf32, #tpu.memory_space<vmem>>
      %dma_wait3A_293 = tpu.memref_squeeze %dma_wait3A_292 : memref<1x128x64xf32, #tpu.memory_space<vmem>> -> memref<128x64xf32, #tpu.memory_space<vmem>>
      %dma_wait3A_294 = arith.constant 0 : i32
      %dma_wait3A_295 = tpu.memref_slice %arg5[%add3A_149, %dma_wait3A_294] : memref<200x128xi32, #tpu.memory_space<vmem>> -> memref<1x128xi32, #tpu.memory_space<vmem>>
      %dma_wait3A_296 = tpu.memref_squeeze %dma_wait3A_295 : memref<1x128xi32, #tpu.memory_space<vmem>> -> memref<128xi32, #tpu.memory_space<vmem>>
      %dma_wait3A_297 = arith.constant 0 : i32
      %dma_wait3A_298 = arith.constant 0 : i32
      %dma_wait3A_299 = tpu.memref_slice %arg2[%dma_wait3A_297, %dma_wait3A_298] : memref<1000000x64xf32, #tpu.memory_space<hbm>> -> memref<1000000x64xf32, #tpu.memory_space<hbm>>
      %dma_wait3A_300 = tpu.memref_slice %arg7[%dma_wait3A_289] : memref<2x!tpu.dma_semaphore, #tpu.memory_space<semaphore_mem>> -> memref<1x!tpu.dma_semaphore, #tpu.memory_space<semaphore_mem>>
      %dma_wait3A_301 = tpu.memref_squeeze %dma_wait3A_300 : memref<1x!tpu.dma_semaphore, #tpu.memory_space<semaphore_mem>> -> memref<!tpu.dma_semaphore, #tpu.memory_space<semaphore_mem>>
      tpu.wait_indirect_dma semaphore(%dma_wait3A_301 : memref<!tpu.dma_semaphore, #tpu.memory_space<semaphore_mem>>) src(%dma_wait3A_299 : memref<1000000x64xf32, #tpu.memory_space<hbm>>) dst(%dma_wait3A_293 : memref<128x64xf32, #tpu.memory_space<vmem>>)
      %dma_wait3A_302 = arith.constant 1 : i32
      %dma_wait3A_303 = arith.constant 1 : i32
      %dma_wait3A_304 = arith.constant 384 : i32
      %dma_wait3A_305 = arith.constant 0 : i32
      %dma_wait3A_306 = tpu.memref_slice %arg6[%dma_wait3A_302, %dma_wait3A_304, %dma_wait3A_305] : memref<2x512x64xf32, #tpu.memory_space<vmem>> -> memref<1x128x64xf32, #tpu.memory_space<vmem>>
      %dma_wait3A_307 = tpu.memref_squeeze %dma_wait3A_306 : memref<1x128x64xf32, #tpu.memory_space<vmem>> -> memref<128x64xf32, #tpu.memory_space<vmem>>
      %dma_wait3A_308 = arith.constant 0 : i32
      %dma_wait3A_309 = tpu.memref_slice %arg5[%add3A_167, %dma_wait3A_308] : memref<200x128xi32, #tpu.memory_space<vmem>> -> memref<1x128xi32, #tpu.memory_space<vmem>>
      %dma_wait3A_310 = tpu.memref_squeeze %dma_wait3A_309 : memref<1x128xi32, #tpu.memory_space<vmem>> -> memref<128xi32, #tpu.memory_space<vmem>>
      %dma_wait3A_311 = arith.constant 0 : i32
      %dma_wait3A_312 = arith.constant 0 : i32
      %dma_wait3A_313 = tpu.memref_slice %arg2[%dma_wait3A_311, %dma_wait3A_312] : memref<1000000x64xf32, #tpu.memory_space<hbm>> -> memref<1000000x64xf32, #tpu.memory_space<hbm>>
      %dma_wait3A_314 = tpu.memref_slice %arg7[%dma_wait3A_303] : memref<2x!tpu.dma_semaphore, #tpu.memory_space<semaphore_mem>> -> memref<1x!tpu.dma_semaphore, #tpu.memory_space<semaphore_mem>>
      %dma_wait3A_315 = tpu.memref_squeeze %dma_wait3A_314 : memref<1x!tpu.dma_semaphore, #tpu.memory_space<semaphore_mem>> -> memref<!tpu.dma_semaphore, #tpu.memory_space<semaphore_mem>>
      tpu.wait_indirect_dma semaphore(%dma_wait3A_315 : memref<!tpu.dma_semaphore, #tpu.memory_space<semaphore_mem>>) src(%dma_wait3A_313 : memref<1000000x64xf32, #tpu.memory_space<hbm>>) dst(%dma_wait3A_307 : memref<128x64xf32, #tpu.memory_space<vmem>>)
      %add3A_316 = arith.constant 1 : i32
      %add3A_317 = arith.addi %add3A_33, %add3A_316 : i32
      %mul3A_318 = arith.constant 512 : i32
      %mul3A_319 = arith.muli %add3A_317, %mul3A_318 : i32
      %add3A_320 = arith.addi %mul3A_2, %mul3A_319 : i32
      %multiple_of3A_321 = tpu.assume_multiple %add3A_320, 512 : i32
      %dma_start3A_322 = arith.constant 1 : i32
      %dma_start3A_323 = arith.constant 1 : i32
      %dma_start3A_324 = arith.constant 0 : i32
      %dma_start3A_325 = arith.constant 0 : i32
      %dma_start3A_326 = tpu.memref_slice %arg6[%dma_start3A_322, %dma_start3A_324, %dma_start3A_325] : memref<2x512x64xf32, #tpu.memory_space<vmem>> -> memref<1x512x64xf32, #tpu.memory_space<vmem>>
      %dma_start3A_327 = tpu.memref_squeeze %dma_start3A_326 : memref<1x512x64xf32, #tpu.memory_space<vmem>> -> memref<512x64xf32, #tpu.memory_space<vmem>>
      %dma_start3A_328 = arith.constant 0 : i32
      %dma_start3A_329 = tpu.memref_slice %arg4[%multiple_of3A_321, %dma_start3A_328] : memref<819200x64xf32, #tpu.memory_space<hbm>> -> memref<512x64xf32, #tpu.memory_space<hbm>>
      %dma_start3A_330 = tpu.memref_slice %arg8[%dma_start3A_323] : memref<2x!tpu.dma_semaphore, #tpu.memory_space<semaphore_mem>> -> memref<1x!tpu.dma_semaphore, #tpu.memory_space<semaphore_mem>>
      %dma_start3A_331 = tpu.memref_squeeze %dma_start3A_330 : memref<1x!tpu.dma_semaphore, #tpu.memory_space<semaphore_mem>> -> memref<!tpu.dma_semaphore, #tpu.memory_space<semaphore_mem>>
      %dma_start3A_332 = arith.constant 0 : i32
      %dma_start3A_333 = tpu.memref_slice %arg4[%multiple_of3A_321, %dma_start3A_332] : memref<819200x64xf32, #tpu.memory_space<hbm>> -> memref<512x64xf32, #tpu.memory_space<hbm>>
      %dma_start3A_334 = arith.constant 0 : i32
      %dma_start3A_335 = arith.constant 0 : i32
      %dma_start3A_336 = tpu.memref_slice %arg6[%dma_start3A_322, %dma_start3A_334, %dma_start3A_335] : memref<2x512x64xf32, #tpu.memory_space<vmem>> -> memref<1x512x64xf32, #tpu.memory_space<vmem>>
      %dma_start3A_337 = tpu.memref_squeeze %dma_start3A_336 : memref<1x512x64xf32, #tpu.memory_space<vmem>> -> memref<512x64xf32, #tpu.memory_space<vmem>>
      tpu.enqueue_dma source(%dma_start3A_337 : memref<512x64xf32, #tpu.memory_space<vmem>>) target(%dma_start3A_333 : memref<512x64xf32, #tpu.memory_space<hbm>>) target_semaphore(%dma_start3A_331 : memref<!tpu.dma_semaphore, #tpu.memory_space<semaphore_mem>>)
      %dma_wait3A_338 = arith.constant 0 : i32
      %dma_wait3A_339 = arith.constant 0 : i32
      %dma_wait3A_340 = arith.constant 0 : i32
      %dma_wait3A_341 = arith.constant 0 : i32
      %dma_wait3A_342 = tpu.memref_slice %arg6[%dma_wait3A_338, %dma_wait3A_340, %dma_wait3A_341] : memref<2x512x64xf32, #tpu.memory_space<vmem>> -> memref<1x512x64xf32, #tpu.memory_space<vmem>>
      %dma_wait3A_343 = tpu.memref_squeeze %dma_wait3A_342 : memref<1x512x64xf32, #tpu.memory_space<vmem>> -> memref<512x64xf32, #tpu.memory_space<vmem>>
      %dma_wait3A_344 = arith.constant 0 : i32
      %dma_wait3A_345 = tpu.memref_slice %arg4[%multiple_of3A_243, %dma_wait3A_344] : memref<819200x64xf32, #tpu.memory_space<hbm>> -> memref<512x64xf32, #tpu.memory_space<hbm>>
      %dma_wait3A_346 = tpu.memref_slice %arg8[%dma_wait3A_339] : memref<2x!tpu.dma_semaphore, #tpu.memory_space<semaphore_mem>> -> memref<1x!tpu.dma_semaphore, #tpu.memory_space<semaphore_mem>>
      %dma_wait3A_347 = tpu.memref_squeeze %dma_wait3A_346 : memref<1x!tpu.dma_semaphore, #tpu.memory_space<semaphore_mem>> -> memref<!tpu.dma_semaphore, #tpu.memory_space<semaphore_mem>>
      %dma_wait3A_348 = arith.constant 0 : i32
      %dma_wait3A_349 = tpu.memref_slice %arg4[%multiple_of3A_243, %dma_wait3A_348] : memref<819200x64xf32, #tpu.memory_space<hbm>> -> memref<512x64xf32, #tpu.memory_space<hbm>>
      %dma_wait3A_350 = arith.constant 0 : i32
      %dma_wait3A_351 = arith.constant 0 : i32
      %dma_wait3A_352 = tpu.memref_slice %arg6[%dma_wait3A_338, %dma_wait3A_350, %dma_wait3A_351] : memref<2x512x64xf32, #tpu.memory_space<vmem>> -> memref<1x512x64xf32, #tpu.memory_space<vmem>>
      %dma_wait3A_353 = tpu.memref_squeeze %dma_wait3A_352 : memref<1x512x64xf32, #tpu.memory_space<vmem>> -> memref<512x64xf32, #tpu.memory_space<vmem>>
      tpu.wait_dma2 semaphore(%dma_wait3A_347 : memref<!tpu.dma_semaphore, #tpu.memory_space<semaphore_mem>>) src(%dma_wait3A_353 : memref<512x64xf32, #tpu.memory_space<vmem>>) dst(%dma_wait3A_349 : memref<512x64xf32, #tpu.memory_space<hbm>>)
      %dma_wait3A_354 = arith.constant 1 : i32
      %dma_wait3A_355 = arith.constant 1 : i32
      %dma_wait3A_356 = arith.constant 0 : i32
      %dma_wait3A_357 = arith.constant 0 : i32
      %dma_wait3A_358 = tpu.memref_slice %arg6[%dma_wait3A_354, %dma_wait3A_356, %dma_wait3A_357] : memref<2x512x64xf32, #tpu.memory_space<vmem>> -> memref<1x512x64xf32, #tpu.memory_space<vmem>>
      %dma_wait3A_359 = tpu.memref_squeeze %dma_wait3A_358 : memref<1x512x64xf32, #tpu.memory_space<vmem>> -> memref<512x64xf32, #tpu.memory_space<vmem>>
      %dma_wait3A_360 = arith.constant 0 : i32
      %dma_wait3A_361 = tpu.memref_slice %arg4[%multiple_of3A_321, %dma_wait3A_360] : memref<819200x64xf32, #tpu.memory_space<hbm>> -> memref<512x64xf32, #tpu.memory_space<hbm>>
      %dma_wait3A_362 = tpu.memref_slice %arg8[%dma_wait3A_355] : memref<2x!tpu.dma_semaphore, #tpu.memory_space<semaphore_mem>> -> memref<1x!tpu.dma_semaphore, #tpu.memory_space<semaphore_mem>>
      %dma_wait3A_363 = tpu.memref_squeeze %dma_wait3A_362 : memref<1x!tpu.dma_semaphore, #tpu.memory_space<semaphore_mem>> -> memref<!tpu.dma_semaphore, #tpu.memory_space<semaphore_mem>>
      %dma_wait3A_364 = arith.constant 0 : i32
      %dma_wait3A_365 = tpu.memref_slice %arg4[%multiple_of3A_321, %dma_wait3A_364] : memref<819200x64xf32, #tpu.memory_space<hbm>> -> memref<512x64xf32, #tpu.memory_space<hbm>>
      %dma_wait3A_366 = arith.constant 0 : i32
      %dma_wait3A_367 = arith.constant 0 : i32
      %dma_wait3A_368 = tpu.memref_slice %arg6[%dma_wait3A_354, %dma_wait3A_366, %dma_wait3A_367] : memref<2x512x64xf32, #tpu.memory_space<vmem>> -> memref<1x512x64xf32, #tpu.memory_space<vmem>>
      %dma_wait3A_369 = tpu.memref_squeeze %dma_wait3A_368 : memref<1x512x64xf32, #tpu.memory_space<vmem>> -> memref<512x64xf32, #tpu.memory_space<vmem>>
      tpu.wait_dma2 semaphore(%dma_wait3A_363 : memref<!tpu.dma_semaphore, #tpu.memory_space<semaphore_mem>>) src(%dma_wait3A_369 : memref<512x64xf32, #tpu.memory_space<vmem>>) dst(%dma_wait3A_365 : memref<512x64xf32, #tpu.memory_space<hbm>>)
    }
    %scan3A_28 = arith.constant 25 : i32
    return
  }
}

</mosaic_0001>

<sc_bundles>
// kernel: _sc_gather.3.cloned.1.call-start
scs
__scs_entry_jumppad:
0x0: {  	(pc) =	sbr.rel $0x88, $3  }
0x1: {  	(tag) =	ssettag $0x0;
	lr =	simm.s32 $0x1  }
0x2: {  	[smem:$0x3F9F] =	sst lr;
	_ =	strace $0xD0000000  }
0x3: {  	_ = 	snop  }
0x4: {  	_ = 	snop  }
0x5: {  	_ = 	snop  }
0x6: {  	_ = 	snop  }
0x7: {  	_ = 	snop  }
__scs_overlays_trampoline_lowered:
0x8: {  	[smem:$0x3FAE] =	sst s0  }
0x9: {  	[smem:$0x3FAF] =	sst s1  }
0xa: {  	[smem:$0x3FB0] =	sst s2  }
0xb: {  	[smem:$0x3FB1] =	sst s3  }
0xc: {  	[smem:$0x3FB2] =	sst s4  }
0xd: {  	[smem:$0x3FB3] =	sst s5  }
0xe: {  	[smem:$0x3FB4] =	sst s6  }
0xf: {  	[smem:$0x3FB5] =	sst s7  }
0x10: {  	[smem:$0x3FB6] =	sst s8  }
0x11: {  	[smem:$0x3FB7] =	sst s9;
	s0 =	simm.s32 @!p0 $0x0  }
0x12: {  	s1 =	sld [smem:$0x3F9D];
	s0 =	simm.s32 @p0 $0x1  }
0x13: {  	[smem:$0x3FB8] =	sst s0;
	s0 =	simm.s32 @!p1 $0x0  }
0x14: {  	s2 =	sld [smem:$0x3F9C];
	s0 =	simm.s32 @p1 $0x1  }
0x15: {  	[smem:$0x3FB9] =	sst s0;
	s0 =	simm.s32 @!p2 $0x0  }
0x16: {  	s3 =	sld [smem:$0x3FDB];
	s0 =	simm.s32 @p2 $0x1  }
0x17: {  	s4 =	simm.s32 $0x1BF5;
	[smem:$0x3FBB] =	sst s0  }
0x18: {  	s0 =	sld [smem:$0x3F9E];
	_ =	swait.ge [sflag:s4], $0x0  }
0x19: {  	s7 =	sld [smem:$0x3F9F]  }
0x1a: {  	s8 =	sadd.s32 $0xFFFFE003, lr  }
0x1b: {  	s9 =	sadd.s32 $0xFFFFFEF7, lr;
	s5 =	simm.s32 $0xFFFFFFFF;
	p2 =	slt.u32 s8, $0xFFFFF086  }
0x1c: {  	p1 =	slt.u32 s9, $0xF7A;
	s5 =	simm.s32 @!p2 $0x0  }
0x1d: {  	s5 =	simm.s32 @p1 $0x1;
	p0 =	seq.s32 s7, s2  }
0x1e: {  	s7 =	smul.u32 @!p0 $0xF7A, s2;
	p2 =	seq.s32 @!p0 s5, $0x0  }
0x1f: {  	s9 =	smul.u32 $0xF7A, s1;
	s8 =	simm.s32 @!p0 $0x1BF5;
	p2 =	por !p2, p0  }
0x20: {  	[sflag:s8] =	ssyncset.s32 @!p0 $0xFFFFF086;
	s6 =	sadd.s32 @!p0 s3, s7;
	s7 =	simm.s32 @!p0 $0x108  }
0x21: {  	s3 =	sadd.s32 s3, s9;
	s6 =	sadd.s32 @!p0 $0x88, s6;
	s7 =	simm.s32 @p2 $0x1082  }
0x22: {  	[simem:s7], [sflag:s8] =	dma.local @!p0 [hbm:s6], $0xF7A  }
0x23: {  	s9 =	sor.u32 $0xD0000000, s2;
	s6 =	simm.s32 $0x108;
	_ =	swait.ge @!p0 [sflag:s8], $0x0  }
0x24: {  	s3 =	sadd.s32 $0x88, s3;
	s6 =	simm.s32 @!p1 $0x1082;
	[sflag:s4] =	ssyncset.s32 $0xFFFFF086  }
0x25: {  	[simem:s6], [sflag:s4] =	dma.local [hbm:s3], $0xF7A  }
0x26: {  	[smem:$0x3F9F] =	sst s1;
	(tag) =	ssettag s2;
	_ =	strace s9  }
0x27: {  	s1 =	sld [smem:$0x3FAF]  }
0x28: {  	s2 =	sld [smem:$0x3FB0]  }
0x29: {  	s4 =	sld [smem:$0x3FB2]  }
0x2a: {  	p0 =	seq.s32 s5, $0x0;
	s5 =	sld [smem:$0x3FB3]  }
0x2b: {  	s6 =	sld [smem:$0x3FB4]  }
0x2c: {  	s7 =	sld [smem:$0x3FB5]  }
0x2d: {  	s3 =	simm.s32 $0x108;
	s8 =	sld [smem:$0x3FB6]  }
0x2e: {  	s3 =	simm.s32 @!p0 $0x1082;
	s9 =	sld [smem:$0x3FB7]  }
0x2f: {  	lr =	sadd.s32 s0, s3;
	s0 =	sld [smem:$0x3FAE]  }
0x30: {  	s3 =	sld [smem:$0x3FB1]  }
0x31: {  	[smem:$0x3FBA] =	sst s10  }
0x32: {  	s10 =	sld [smem:$0x3FB8];
	_ =	sdelay $0x3  }
0x33: {  	p0 =	seq.s32 s10, $0x1;
	s10 =	sld [smem:$0x3FBA];
	_ =	sdelay $0x3  }
0x34: {  	[smem:$0x3FBA] =	sst s10  }
0x35: {  	s10 =	sld [smem:$0x3FB9];
	_ =	sdelay $0x3  }
0x36: {  	p1 =	seq.s32 s10, $0x1;
	s10 =	sld [smem:$0x3FBA];
	_ =	sdelay $0x3  }
0x37: {  	[smem:$0x3FBA] =	sst s10  }
0x38: {  	s10 =	sld [smem:$0x3FBB]  }
0x39: {  	_ = 	snop;
	(pc) =	sbr.ind lr, $3  }
0x3a: {  	_ = 	snop  }
0x3b: {  	_ = 	snop  }
0x3c: {  	p2 =	seq.s32 s10, $0x1;
	s10 =	sld [smem:$0x3FBA]  }
0x3d: {  	_ =	shalt  }
0x3e: {  	_ =	shalt  }
0x3f: {  	_ =	shalt  }
0x40: {  	_ =	shalt  }
0x41: {  	_ =	shalt  }
0x42: {  	_ =	shalt  }
0x43: {  	_ =	shalt  }
0x44: {  	_ =	shalt  }
0x45: {  	_ =	shalt  }
0x46: {  	_ =	shalt  }
0x47: {  	_ =	shalt  }
0x48: {  	_ =	shalt  }
0x49: {  	_ =	shalt  }
0x4a: {  	_ =	shalt  }
0x4b: {  	_ =	shalt  }
0x4c: {  	_ =	shalt  }
0x4d: {  	_ =	shalt  }
0x4e: {  	_ =	shalt  }
0x4f: {  	_ =	shalt  }
0x50: {  	_ =	shalt  }
0x51: {  	_ =	shalt  }
0x52: {  	_ =	shalt  }
0x53: {  	_ =	shalt  }
0x54: {  	_ =	shalt  }
0x55: {  	_ =	shalt  }
0x56: {  	_ =	shalt  }
0x57: {  	_ =	shalt  }
0x58: {  	_ =	shalt  }
0x59: {  	_ =	shalt  }
0x5a: {  	_ =	shalt  }
0x5b: {  	_ =	shalt  }
0x5c: {  	_ =	shalt  }
0x5d: {  	_ =	shalt  }
0x5e: {  	_ =	shalt  }
0x5f: {  	_ =	shalt  }
0x60: {  	_ =	shalt  }
0x61: {  	_ =	shalt  }
0x62: {  	_ =	shalt  }
0x63: {  	_ =	shalt  }
0x64: {  	_ =	shalt  }
0x65: {  	_ =	shalt  }
0x66: {  	_ =	shalt  }
0x67: {  	_ =	shalt  }
0x68: {  	_ =	shalt  }
0x69: {  	_ =	shalt  }
0x6a: {  	_ =	shalt  }
0x6b: {  	_ =	shalt  }
0x6c: {  	_ =	shalt  }
0x6d: {  	_ =	shalt  }
0x6e: {  	_ =	shalt  }
0x6f: {  	_ =	shalt  }
0x70: {  	_ =	shalt  }
0x71: {  	_ =	shalt  }
0x72: {  	_ =	shalt  }
0x73: {  	_ =	shalt  }
0x74: {  	_ =	shalt  }
0x75: {  	_ =	shalt  }
0x76: {  	_ =	shalt  }
0x77: {  	_ =	shalt  }
0x78: {  	_ =	shalt  }
0x79: {  	_ =	shalt  }
0x7a: {  	_ =	shalt  }
0x7b: {  	_ =	shalt  }
0x7c: {  	_ =	shalt  }
0x7d: {  	_ =	shalt  }
0x7e: {  	_ =	shalt  }
0x7f: {  	_ =	shalt  }
0x80: {  	_ =	shalt  }
0x81: {  	_ =	shalt  }
0x82: {  	_ =	shalt  }
0x83: {  	_ =	shalt  }
0x84: {  	_ =	shalt  }
0x85: {  	_ =	shalt  }
0x86: {  	_ =	shalt  }
0x87: {  	_ =	shalt  }
.Lfunc_end0:
.L_simem_size_0:
called_computation.1_lowered:
.L_overlay_start_0:
0x88: {  	s2 =	sld [smem:$0x3FD9]  }
0x89: {  	s3 =	sld [smem:$0x3FFE];
	_ =	sdelay $0x1  }
0x8a: {  	s1 =	srdreg.scid  }
0x8b: {  	s0 =	sand.u32 $0x1, s1  }
0x8c: {  	s17 =	sshll.u32 s0, $0xA;
	s2 =	sadd.s32 s3, s2  }
0x8d: {  	s2 =	sadd.s32 s2, s17  }
0x8e: {  	[smem:$0x3FC6] =	sst s2  }
0x8f: {  	_ = 	snop  }
0x90: {  	s2 =	sld [smem:$0x3FC8]  }
0x91: {  	s18 =	sld [smem:$0x3FD0];
	(tm) =	ssettm $0x1  }
0x92: {  	s4 =	sld [smem:$0x3FFB];
	_ =	sdelay $0x3  }
0x93: {  	_ =	strace s4  }
0x94: {  	s4 =	sld [smem:$0x3FFC];
	_ =	sdelay $0x3  }
0x95: {  	_ =	strace s4  }
0x96: {  	s4 =	sld [smem:$0x3FFD];
	_ =	sdelay $0x3  }
0x97: {  	_ =	strace s4  }
0x98: {  	_ =	strace $0x8FFFFFFF  }
0x99: {  	s19 =	sld [smem:$0x3FDB];
	_ =	sdelay $0x1  }
0x9a: {  	s5 =	simm.s32 $_scs_section_size  }
0x9b: {  	s6 =	simm.s32 $_size__tile_overlayer_lowered;
	s7 =	simm.s32 $_tile_overlayer_lowered  }
0x9c: {  	s22 =	simm.s32 $0x1BFF;
	s21 =	sshll.u32 s7, $0x1;
	s4 =	sadd.s32 s5, s19  }
0x9d: {  	s8 =	simm.s32 $0x0;
	s20 =	sshll.u32 s6, $0x1;
	s6 =	sadd.s32 s21, s4  }
0x9e: {  	[timem:s8], [sflag:s22] =	dma.local [hbm:s6], s20  }
0x9f: {  	_ =	swait.ge [sflag:s22], s20  }
0xa0: {  	s5 =	ssub.s32 $0x0, s20;
	[sflag:s22] =	ssyncset.done $0x0  }
0xa1: {  	[sflag:s22] =	ssyncadd.s32 s5;
	_ =	sdelay $0x1  }
0xa2: {  	s23 =	simm.s32 $0x1B8B  }
0xa3: {  	_ =	swait.ge [sflag:s23], $0x1  }
0xa4: {  	[sflag:s23] =	ssyncset.done $0x0  }
0xa5: {  	s25 =	simm.s32 $0x1B8E;
	s24 =	sld [smem:$0x3FFE];
	[sflag:s23] =	ssyncadd.s32 $0xFFFFFFFF  }
0xa6: {  	s26 =	simm.s32 $execute0_lowered;
	[smem:$0x3FD2] =	sst s25  }
0xa7: {  	s6 =	sshll.u32 s26, $0x1;
	_ =	strace $0x80000046;
	[dreg:$0x1] =	wrdreg $0xFFFFFFFF  }
0xa8: {  	s28 =	simm.s32 $_size_execute0_lowered;
	s4 =	sadd.s32 s4, s6;
	[dreg:$0x0] =	wrdreg $0x0  }
0xa9: {  	s6 =	sshll.u32 s28, $0x1;
	[dreg:$0x2] =	wrdreg s4  }
0xaa: {  	[dreg:$0x3] =	wrdreg s6  }
0xab: {  	[dreg:$0x4] =	wrdreg $0xC0  }
0xac: {  	_ =	task [dreg:s8], $0x5FFFF  }
0xad: {  	[dreg:$0x1] =	wrdreg $0xFFFFFFFF  }
0xae: {  	[dreg:$0x0] =	wrdreg $0x60  }
0xaf: {  	[dreg:$0x2] =	wrdreg s24  }
0xb0: {  	[dreg:$0x3] =	wrdreg s2  }
0xb1: {  	[dreg:$0x4] =	wrdreg s18  }
0xb2: {  	[dreg:$0x5] =	wrdreg $0x9  }
0xb3: {  	_ =	task.clear_ibuf [dreg:s8], $0x6FFFF;
	_ =	strace $0x90000046  }
0xb4: {  	s29 =	simm.s32 $0x9;
	_ =	strace $0x80000048  }
0xb5: {  	_ =	swait.ge [sflag:s29], $0x1  }
0xb6: {  	[sflag:s29] =	ssyncadd.s32 $0xFFFFFFFF  }
0xb7: {  	_ =	strace $0x90000048  }
0xb8: {  	_ =	sfence  }
0xb9: {  	s30 =	sld [smem:$0x0];
	_ =	sdelay $0x2  }
0xba: {  	s31 =	sshll.u32 s1, $0xD;
	s1 =	sshrl.u32 s1, $0x2  }
0xbb: {  	s3 =	sand.u32 $0x4000, s31;
	s1 =	sadd.s32 s1, s30  }
0xbc: {  	s0 =	sor.u32 s3, s0;
	s1 =	sshll.u32 s1, $0x11  }
0xbd: {  	s0 =	sor.u32 s1, s0  }
0xbe: {  	s0 =	sadd.s32 $0x8F2B, s0  }
0xbf: {  	[sflag:s0] =	ssyncadd.remote.s32 $0x1  }
0xc0: {  	_ =	sfence.sel $0xFFFF  }
0xc1: {  	[dreg:$0x0] =	wrdreg $0xFFFFFFFF;
	(pc) =	sbr.abs _section_cstart, $3  }
0xc2: {  	[dreg:$0x1] =	wrdreg $0xFFFFFFFF  }
0xc3: {  	_ =	task.clear_ibuf [dreg:s8], $0x2FFFF;
	_ =	strace $0x9FFFFFFF  }
0xc4: {  	(tm) =	ssettm $0x7FFFFFFF  }
0xc5: {  	_ =	shalt  }
tec
execute0_lowered:
.L_overlay_start_1:
0x0: {  	(tag) =	ssettag $0x1  }
0x1: {  	s3 =	rddreg [dreg:$0x0]  }
0x2: {  	s4 =	rddreg [dreg:$0x1]  }
0x3: {  	s7 =	rddreg [dreg:$0x2]  }
0x4: {  	s0 =	rddreg [dreg:$0x3]  }
0x5: {  	s5 =	srdreg.scid;
	s1 =	stileid.u32  }
0x6: {  	s2 =	simm.s32 $0x0;
	s11 =	simm.s32 $0x8400;
	s12 =	simm.s32 $0xA400  }
0x7: {  	s13 =	simm.s32 $0xC400;
	s14 =	simm.s32 $0xE400;
	s15 =	simm.s32 $0x10400  }
0x8: {  	s16 =	simm.s32 $0x12400;
	s17 =	simm.s32 $0x14400;
	s18 =	simm.s32 $0x1  }
0x9: {  	s19 =	simm.s32 $0x2;
	s20 =	simm.s32 $0x3;
	s21 =	simm.s32 $0x4  }
0xa: {  	s22 =	simm.s32 $0x0;
	s5 =	sand.u32 $0x1, s5;
	s6 =	smul.u32 $0x320000, s1  }
0xb: {  	[smem:$0x7FF] =	sst s2;
	s8 =	sshll.u32 s1, $0x1;
	s3 =	sadd.s32 $0xF42C00, s3  }
0xc: {  	s9 =	smul.u32 $0x190000, s5;
	s10 =	ssub.s32 $0x2, s5;
	s5 =	sor.u32 s5, s8  }
0xd: {  	_ =	strace $0x80000047;
	s31 =	sshrl.u32 s10, $0x1;
	s5 =	smul.u32 $0xC80, s5  }
0xe: {  	s6 =	sadd.s32 s9, s6;
	s8 =	ssub.s32 s10, s31;
	s10 =	simm.s32 $0x6400  }
0xf: {  	s9 =	sor.u32 $0x8000, s6;
	s4 =	sadd.s32 s4, s5;
	s6 =	sshrl.u32 s6, $0x3  }
0x10: {  	s5 =	smax.u32 s8, $0x1;
	s8 =	simm.s32 $0x5;
	s9 =	sshrl.u32 s9, $0x3  }
0x11: {  	s6 =	sadd.s32 s6, s7;
	s7 =	sadd.s32 s9, s7;
	s9 =	simm.s32 $0x80  }
.LBB2_1:
0x12: {  	[tilespmem:s2], [sflag:$0x5] =	stream.linear.gather [hbm4b:s4+s2], $0x6400, $0x38;
	[tilespmem:$0x16400] =	vst v63  }
0x13: {  	_ =	swait.ge [sflag:s8], $0x6400  }
0x14: {  	[sflag:s8] =	ssyncset.done $0x0  }
0x15: {  	s23 =	simm.s32 $0x0;
	[sflag:s8] =	ssyncadd.s32 $0xFFFF9C00  }
0x16: {  	[tilespmem:s10], [sflag:$0x1] =	stream.indirect.gather [hbm4b:s3+s9], $0x40, s23, s9, $0xb8;
	[tilespmem:$0x16400] =	vst v63  }
0x17: {  	s31 =	simm.s32 $0x80  }
0x18: {  	[tilespmem:s11], [sflag:$0x1] =	stream.indirect.gather [hbm4b:s3+s9], $0x40, s31, s9, $0xb8;
	[tilespmem:$0x16400] =	vst v63  }
0x19: {  	s24 =	simm.s32 $0x100  }
0x1a: {  	[tilespmem:s12], [sflag:$0x1] =	stream.indirect.gather [hbm4b:s3+s9], $0x40, s24, s9, $0xb8;
	[tilespmem:$0x16400] =	vst v63  }
0x1b: {  	s25 =	simm.s32 $0x180  }
0x1c: {  	[tilespmem:s13], [sflag:$0x1] =	stream.indirect.gather [hbm4b:s3+s9], $0x40, s25, s9, $0xb8;
	[tilespmem:$0x16400] =	vst v63  }
0x1d: {  	s26 =	simm.s32 $0x200  }
0x1e: {  	[tilespmem:s14], [sflag:$0x2] =	stream.indirect.gather [hbm4b:s3+s9], $0x40, s26, s9, $0xb8;
	[tilespmem:$0x16400] =	vst v63  }
0x1f: {  	s29 =	simm.s32 $0x280  }
0x20: {  	[tilespmem:s15], [sflag:$0x2] =	stream.indirect.gather [hbm4b:s3+s9], $0x40, s29, s9, $0xb8;
	[tilespmem:$0x16400] =	vst v63  }
0x21: {  	s30 =	simm.s32 $0x300  }
0x22: {  	[tilespmem:s16], [sflag:$0x2] =	stream.indirect.gather [hbm4b:s3+s9], $0x40, s30, s9, $0xb8;
	[tilespmem:$0x16400] =	vst v63  }
0x23: {  	s31 =	simm.s32 $0x380  }
0x24: {  	[tilespmem:s17], [sflag:$0x2] =	stream.indirect.gather [hbm4b:s3+s9], $0x40, s31, s9, $0xb8;
	[tilespmem:$0x16400] =	vst v63  }
0x25: {  	_ =	swait.ge [sflag:s18], $0x2000  }
0x26: {  	[sflag:s18] =	ssyncset.done $0x0  }
0x27: {  	[sflag:s18] =	ssyncadd.s32 $0xFFFFE000  }
0x28: {  	_ =	swait.ge [sflag:s18], $0x2000  }
0x29: {  	[sflag:s18] =	ssyncset.done $0x0  }
0x2a: {  	[sflag:s18] =	ssyncadd.s32 $0xFFFFE000  }
0x2b: {  	_ =	swait.ge [sflag:s18], $0x2000  }
0x2c: {  	[sflag:s18] =	ssyncset.done $0x0  }
0x2d: {  	[sflag:s18] =	ssyncadd.s32 $0xFFFFE000  }
0x2e: {  	_ =	swait.ge [sflag:s18], $0x2000  }
0x2f: {  	[sflag:s18] =	ssyncset.done $0x0  }
0x30: {  	[sflag:s18] =	ssyncadd.s32 $0xFFFFE000  }
0x31: {  	[hbm4b:s6+s2] =	stream.linear.scatter [tilespmem:s10], [sflag:$0x3], $0x8000, $0x38;
	[tilespmem:$0x16400] =	vst v63  }
0x32: {  	_ =	swait.ge [sflag:s19], $0x2000  }
0x33: {  	[sflag:s19] =	ssyncset.done $0x0  }
0x34: {  	[sflag:s19] =	ssyncadd.s32 $0xFFFFE000  }
0x35: {  	_ =	swait.ge [sflag:s19], $0x2000  }
0x36: {  	[sflag:s19] =	ssyncset.done $0x0  }
0x37: {  	[sflag:s19] =	ssyncadd.s32 $0xFFFFE000  }
0x38: {  	_ =	swait.ge [sflag:s19], $0x2000  }
0x39: {  	[sflag:s19] =	ssyncset.done $0x0  }
0x3a: {  	[sflag:s19] =	ssyncadd.s32 $0xFFFFE000  }
0x3b: {  	_ =	swait.ge [sflag:s19], $0x2000  }
0x3c: {  	[sflag:s19] =	ssyncset.done $0x0  }
0x3d: {  	[sflag:s19] =	ssyncadd.s32 $0xFFFFE000  }
0x3e: {  	[hbm4b:s7+s2] =	stream.linear.scatter [tilespmem:s14], [sflag:$0x4], $0x8000, $0x38;
	[tilespmem:$0x16400] =	vst v63  }
0x3f: {  	_ =	swait.ge [sflag:s20], $0x8000  }
0x40: {  	[sflag:s20] =	ssyncset.done $0x0  }
0x41: {  	[sflag:s20] =	ssyncadd.s32 $0xFFFF8000  }
0x42: {  	s28 =	simm.s32 $0x2000;
	s23 =	sadd.s32 $0x2000, s7;
	_ =	swait.ge [sflag:s21], $0x8000  }
0x43: {  	s24 =	sadd.s32 $0x2000, s6;
	s25 =	simm.s32 $0x1000;
	[sflag:s21] =	ssyncset.done $0x0  }
.LBB2_2:
0x44: {  	s29 =	sshra.s32 s25, $0x2  }
0x45: {  	[sflag:s21] =	ssyncadd.s32 $0xFFFF8000;
	s25 =	smov.u32 s28;
	s26 =	sadd.s32 $0x1000, s28  }
0x46: {  	[tilespmem:s10], [sflag:$0x1] =	stream.indirect.gather [hbm4b:s3+s9], $0x40, s29, s9, $0xb8;
	[tilespmem:$0x16400] =	vst v63  }
0x47: {  	p0 =	sne.s32 s28, $0x18000;
	s28 =	sadd.s32 $0x80, s29  }
0x48: {  	[tilespmem:s11], [sflag:$0x1] =	stream.indirect.gather [hbm4b:s3+s9], $0x40, s28, s9, $0xb8;
	[tilespmem:$0x16400] =	vst v63  }
0x49: {  	s28 =	sadd.s32 $0x100, s29  }
0x4a: {  	[tilespmem:s12], [sflag:$0x1] =	stream.indirect.gather [hbm4b:s3+s9], $0x40, s28, s9, $0xb8;
	[tilespmem:$0x16400] =	vst v63  }
0x4b: {  	s28 =	sadd.s32 $0x180, s29  }
0x4c: {  	[tilespmem:s13], [sflag:$0x1] =	stream.indirect.gather [hbm4b:s3+s9], $0x40, s28, s9, $0xb8;
	[tilespmem:$0x16400] =	vst v63  }
0x4d: {  	s28 =	sadd.s32 $0x200, s29  }
0x4e: {  	[tilespmem:s14], [sflag:$0x2] =	stream.indirect.gather [hbm4b:s3+s9], $0x40, s28, s9, $0xb8;
	[tilespmem:$0x16400] =	vst v63  }
0x4f: {  	s28 =	sadd.s32 $0x280, s29  }
0x50: {  	[tilespmem:s15], [sflag:$0x2] =	stream.indirect.gather [hbm4b:s3+s9], $0x40, s28, s9, $0xb8;
	[tilespmem:$0x16400] =	vst v63  }
0x51: {  	s28 =	sadd.s32 $0x300, s29  }
0x52: {  	[tilespmem:s16], [sflag:$0x2] =	stream.indirect.gather [hbm4b:s3+s9], $0x40, s28, s9, $0xb8;
	[tilespmem:$0x16400] =	vst v63  }
0x53: {  	s28 =	sadd.s32 $0x380, s29  }
0x54: {  	[tilespmem:s17], [sflag:$0x2] =	stream.indirect.gather [hbm4b:s3+s9], $0x40, s28, s9, $0xb8;
	[tilespmem:$0x16400] =	vst v63  }
0x55: {  	_ =	swait.ge [sflag:s18], $0x2000  }
0x56: {  	[sflag:s18] =	ssyncset.done $0x0  }
0x57: {  	[sflag:s18] =	ssyncadd.s32 $0xFFFFE000  }
0x58: {  	_ =	swait.ge [sflag:s18], $0x2000  }
0x59: {  	[sflag:s18] =	ssyncset.done $0x0  }
0x5a: {  	[sflag:s18] =	ssyncadd.s32 $0xFFFFE000  }
0x5b: {  	_ =	swait.ge [sflag:s18], $0x2000  }
0x5c: {  	[sflag:s18] =	ssyncset.done $0x0  }
0x5d: {  	[sflag:s18] =	ssyncadd.s32 $0xFFFFE000  }
0x5e: {  	_ =	swait.ge [sflag:s18], $0x2000  }
0x5f: {  	[sflag:s18] =	ssyncset.done $0x0  }
0x60: {  	[sflag:s18] =	ssyncadd.s32 $0xFFFFE000  }
0x61: {  	[hbm4b:s24+s2] =	stream.linear.scatter [tilespmem:s10], [sflag:$0x3], $0x8000, $0x38;
	[tilespmem:$0x16400] =	vst v63  }
0x62: {  	_ =	swait.ge [sflag:s19], $0x2000  }
0x63: {  	[sflag:s19] =	ssyncset.done $0x0  }
0x64: {  	[sflag:s19] =	ssyncadd.s32 $0xFFFFE000  }
0x65: {  	_ =	swait.ge [sflag:s19], $0x2000  }
0x66: {  	[sflag:s19] =	ssyncset.done $0x0  }
0x67: {  	[sflag:s19] =	ssyncadd.s32 $0xFFFFE000  }
0x68: {  	_ =	swait.ge [sflag:s19], $0x2000  }
0x69: {  	[sflag:s19] =	ssyncset.done $0x0  }
0x6a: {  	[sflag:s19] =	ssyncadd.s32 $0xFFFFE000  }
0x6b: {  	_ =	swait.ge [sflag:s19], $0x2000  }
0x6c: {  	[sflag:s19] =	ssyncset.done $0x0  }
0x6d: {  	[sflag:s19] =	ssyncadd.s32 $0xFFFFE000  }
0x6e: {  	[hbm4b:s23+s2] =	stream.linear.scatter [tilespmem:s14], [sflag:$0x4], $0x8000, $0x38;
	[tilespmem:$0x16400] =	vst v63  }
.Ltmp0:
0x6f: {  	_ =	swait.ge [sflag:s20], $0x8000;
	(pc) =	sbr.rel @p0 .LBB2_2-.Ltmp0, $4  }
0x70: {  	[sflag:s20] =	ssyncset.done $0x0  }
0x71: {  	[sflag:s20] =	ssyncadd.s32 $0xFFFF8000  }
0x72: {  	s28 =	smov.u32 s26;
	_ =	swait.ge [sflag:s21], $0x8000  }
0x73: {  	s24 =	sadd.s32 $0x2000, s24;
	s23 =	sadd.s32 $0x2000, s23;
	[sflag:s21] =	ssyncset.done $0x0  }
0x74: {  	s25 =	sshra.s32 s25, $0x2;
	[sflag:s21] =	ssyncadd.s32 $0xFFFF8000  }
0x75: {  	[tilespmem:s10], [sflag:$0x1] =	stream.indirect.gather [hbm4b:s3+s9], $0x40, s25, s9, $0xb8;
	[tilespmem:$0x16400] =	vst v63  }
0x76: {  	s26 =	sadd.s32 $0x80, s25  }
0x77: {  	[tilespmem:s11], [sflag:$0x1] =	stream.indirect.gather [hbm4b:s3+s9], $0x40, s26, s9, $0xb8;
	[tilespmem:$0x16400] =	vst v63  }
0x78: {  	s31 =	sadd.s32 $0x100, s25  }
0x79: {  	[tilespmem:s12], [sflag:$0x1] =	stream.indirect.gather [hbm4b:s3+s9], $0x40, s31, s9, $0xb8;
	[tilespmem:$0x16400] =	vst v63  }
0x7a: {  	s28 =	sadd.s32 $0x180, s25  }
0x7b: {  	[tilespmem:s13], [sflag:$0x1] =	stream.indirect.gather [hbm4b:s3+s9], $0x40, s28, s9, $0xb8;
	[tilespmem:$0x16400] =	vst v63  }
0x7c: {  	s29 =	sadd.s32 $0x200, s25  }
0x7d: {  	[tilespmem:s14], [sflag:$0x2] =	stream.indirect.gather [hbm4b:s3+s9], $0x40, s29, s9, $0xb8;
	[tilespmem:$0x16400] =	vst v63  }
0x7e: {  	s30 =	sadd.s32 $0x280, s25  }
0x7f: {  	[tilespmem:s15], [sflag:$0x2] =	stream.indirect.gather [hbm4b:s3+s9], $0x40, s30, s9, $0xb8;
	[tilespmem:$0x16400] =	vst v63  }
0x80: {  	s31 =	sadd.s32 $0x300, s25  }
0x81: {  	[tilespmem:s16], [sflag:$0x2] =	stream.indirect.gather [hbm4b:s3+s9], $0x40, s31, s9, $0xb8;
	[tilespmem:$0x16400] =	vst v63  }
0x82: {  	s25 =	sadd.s32 $0x380, s25  }
0x83: {  	[tilespmem:s17], [sflag:$0x2] =	stream.indirect.gather [hbm4b:s3+s9], $0x40, s25, s9, $0xb8;
	[tilespmem:$0x16400] =	vst v63  }
0x84: {  	_ =	swait.ge [sflag:s18], $0x2000  }
0x85: {  	[sflag:s18] =	ssyncset.done $0x0  }
0x86: {  	[sflag:s18] =	ssyncadd.s32 $0xFFFFE000  }
0x87: {  	_ =	swait.ge [sflag:s18], $0x2000  }
0x88: {  	[sflag:s18] =	ssyncset.done $0x0  }
0x89: {  	[sflag:s18] =	ssyncadd.s32 $0xFFFFE000  }
0x8a: {  	_ =	swait.ge [sflag:s18], $0x2000  }
0x8b: {  	[sflag:s18] =	ssyncset.done $0x0  }
0x8c: {  	[sflag:s18] =	ssyncadd.s32 $0xFFFFE000  }
0x8d: {  	_ =	swait.ge [sflag:s18], $0x2000  }
0x8e: {  	[sflag:s18] =	ssyncset.done $0x0  }
0x8f: {  	[sflag:s18] =	ssyncadd.s32 $0xFFFFE000  }
0x90: {  	[hbm4b:s24+s2] =	stream.linear.scatter [tilespmem:s10], [sflag:$0x3], $0x8000, $0x38;
	[tilespmem:$0x16400] =	vst v63  }
0x91: {  	_ =	swait.ge [sflag:s19], $0x2000  }
0x92: {  	[sflag:s19] =	ssyncset.done $0x0  }
0x93: {  	[sflag:s19] =	ssyncadd.s32 $0xFFFFE000  }
0x94: {  	_ =	swait.ge [sflag:s19], $0x2000  }
0x95: {  	[sflag:s19] =	ssyncset.done $0x0  }
0x96: {  	[sflag:s19] =	ssyncadd.s32 $0xFFFFE000  }
0x97: {  	_ =	swait.ge [sflag:s19], $0x2000  }
0x98: {  	[sflag:s19] =	ssyncset.done $0x0  }
0x99: {  	[sflag:s19] =	ssyncadd.s32 $0xFFFFE000  }
0x9a: {  	_ =	swait.ge [sflag:s19], $0x2000  }
0x9b: {  	[sflag:s19] =	ssyncset.done $0x0  }
0x9c: {  	s22 =	sadd.s32 $0x1, s22;
	[sflag:s19] =	ssyncadd.s32 $0xFFFFE000  }
0x9d: {  	[hbm4b:s23+s2] =	stream.linear.scatter [tilespmem:s14], [sflag:$0x4], $0x8000, $0x38;
	[tilespmem:$0x16400] =	vst v63  }
0x9e: {  	p0 =	sne.s32 s22, s5;
	_ =	swait.ge [sflag:s20], $0x8000  }
.Ltmp1:
0x9f: {  	[sflag:s20] =	ssyncset.done $0x0;
	(pc) =	sbr.rel @p0 .LBB2_1-.Ltmp1, $4  }
0xa0: {  	[sflag:s20] =	ssyncadd.s32 $0xFFFF8000  }
0xa1: {  	_ =	swait.ge [sflag:s21], $0x8000  }
0xa2: {  	[sflag:s21] =	ssyncset.done $0x0  }
0xa3: {  	[sflag:s21] =	ssyncadd.s32 $0xFFFF8000  }
0xa4: {  	_ =	sfence.sel $0x180000  }
0xa5: {  	[bflag:$0x0] =	sbarrier.arrive $0xFFFF  }
0xa6: {  	p0 =	sne.s32 s1, $0x0;
	_ =	strace $0x90000047  }
0xa7: {  	s0 =	sadd.s32 @!p0 $0x100000, s0;
	[bflag:$0x2] =	sbarrier.arrive $0xFFFF  }
0xa8: {  	[sflag:s0] =	ssyncadd.tile.s32 @!p0 $0x1;
	_ =	shalt  }
.Lfunc_end2:
_tile_overlayer_lowered:
.L_overlay_start_2:
0xa9: {  	(tag) =	ssettag $0x2  }
0xaa: {  	s0 =	rddreg [dreg:$0x0];
	s2 =	stileid.u32  }
0xab: {  	s1 =	rddreg [dreg:$0x1];
	p0 =	sne.s32 s2, $0x0  }
0xac: {  	s3 =	rddreg [dreg:$0x2];
	[bflag:$0x3] =	sbarrier.arrive $0xFFFF;
	s2 =	simm.s32 @!p0 $0x1C06  }
0xad: {  	[timem:s3], [sflag:s2] =	dma.local @!p0 [hbm:s0], s1  }
0xae: {  	s0 =	simm.s32 @!p0 $0x6  }
0xaf: {  	_ =	swait.ge @!p0 [sflag:s0], s1  }
0xb0: {  	s1 =	ssub.s32 @!p0 $0x0, s1;
	[sflag:s0] =	ssyncset.done @!p0 $0x0  }
0xb1: {  	[sflag:s0] =	ssyncadd.s32 @!p0 s1  }
0xb2: {  	[bflag:$0x3] =	sbarrier.arrive $0xFFFF  }
0xb3: {  	_ =	shalt  }

// kernel: sparse-core-data-format-call.cloned.1.call-start
scs
called_computation_lowered:
.L_overlay_start_0:
0x0: {  	s2 =	sld [smem:$0x3FD9]  }
0x1: {  	s3 =	sld [smem:$0x3FFE];
	_ =	sdelay $0x1  }
0x2: {  	s1 =	srdreg.scid  }
0x3: {  	s0 =	sand.u32 $0x1, s1  }
0x4: {  	s18 =	sshll.u32 s0, $0xA;
	s2 =	sadd.s32 s3, s2  }
0x5: {  	s2 =	sadd.s32 s2, s18  }
0x6: {  	[smem:$0x3FC6] =	sst s2  }
0x7: {  	_ = 	snop  }
0x8: {  	s2 =	sld [smem:$0x3FD0];
	(tm) =	ssettm $0x1  }
0x9: {  	s19 =	sld [smem:$0x3FFB];
	_ =	sdelay $0x3  }
0xa: {  	_ =	strace s19  }
0xb: {  	s3 =	sld [smem:$0x3FFC];
	_ =	sdelay $0x3  }
0xc: {  	_ =	strace s3  }
0xd: {  	s3 =	sld [smem:$0x3FFD];
	_ =	sdelay $0x3  }
0xe: {  	_ =	strace s3  }
0xf: {  	_ =	strace $0x8FFFFFFF  }
0x10: {  	s20 =	sld [smem:$0x3FDB];
	_ =	sdelay $0x1  }
0x11: {  	s4 =	simm.s32 $_scs_section_size  }
0x12: {  	s5 =	simm.s32 $_size__tile_overlayer_lowered;
	s6 =	simm.s32 $_tile_overlayer_lowered  }
0x13: {  	s23 =	simm.s32 $0x1BFF;
	s22 =	sshll.u32 s6, $0x1;
	s3 =	sadd.s32 s4, s20  }
0x14: {  	s7 =	simm.s32 $0x0;
	s21 =	sshll.u32 s5, $0x1;
	s5 =	sadd.s32 s22, s3  }
0x15: {  	[timem:s7], [sflag:s23] =	dma.local [hbm:s5], s21  }
0x16: {  	_ =	swait.ge [sflag:s23], s21  }
0x17: {  	s4 =	ssub.s32 $0x0, s21;
	[sflag:s23] =	ssyncset.done $0x0  }
0x18: {  	[sflag:s23] =	ssyncadd.s32 s4;
	_ =	sdelay $0x1  }
0x19: {  	s24 =	simm.s32 $0x1B8B  }
0x1a: {  	_ =	swait.ge [sflag:s24], $0x1  }
0x1b: {  	[sflag:s24] =	ssyncset.done $0x0  }
0x1c: {  	s26 =	simm.s32 $0x1B8E;
	s25 =	sld [smem:$0x3FFE];
	[sflag:s24] =	ssyncadd.s32 $0xFFFFFFFF  }
0x1d: {  	s27 =	simm.s32 $execute0_lowered;
	[smem:$0x3FD2] =	sst s26  }
0x1e: {  	s5 =	sshll.u32 s27, $0x1;
	_ =	strace $0x80000049;
	[dreg:$0x1] =	wrdreg $0xFFFFFFFF  }
0x1f: {  	s28 =	simm.s32 $_size_execute0_lowered;
	s3 =	sadd.s32 s3, s5;
	[dreg:$0x0] =	wrdreg $0x0  }
0x20: {  	s5 =	sshll.u32 s28, $0x1;
	[dreg:$0x2] =	wrdreg s3  }
0x21: {  	[dreg:$0x3] =	wrdreg s5  }
0x22: {  	[dreg:$0x4] =	wrdreg $0xC0  }
0x23: {  	_ =	task [dreg:s7], $0x5FFFF  }
0x24: {  	[dreg:$0x1] =	wrdreg $0xFFFFFFFF  }
0x25: {  	[dreg:$0x0] =	wrdreg $0x60  }
0x26: {  	[dreg:$0x2] =	wrdreg s25  }
0x27: {  	[dreg:$0x3] =	wrdreg s2  }
0x28: {  	[dreg:$0x4] =	wrdreg $0x9  }
0x29: {  	_ =	task.clear_ibuf [dreg:s7], $0x5FFFF;
	_ =	strace $0x90000049  }
0x2a: {  	s29 =	simm.s32 $0x9;
	_ =	strace $0x8000004B  }
0x2b: {  	_ =	swait.ge [sflag:s29], $0x1  }
0x2c: {  	[sflag:s29] =	ssyncadd.s32 $0xFFFFFFFF  }
0x2d: {  	_ =	strace $0x9000004B  }
0x2e: {  	_ =	sfence  }
0x2f: {  	s30 =	sld [smem:$0x0];
	_ =	sdelay $0x2  }
0x30: {  	s31 =	sshll.u32 s1, $0xD;
	s1 =	sshrl.u32 s1, $0x2  }
0x31: {  	s3 =	sand.u32 $0x4000, s31;
	s1 =	sadd.s32 s1, s30  }
0x32: {  	s0 =	sor.u32 s3, s0;
	s1 =	sshll.u32 s1, $0x11  }
0x33: {  	s0 =	sor.u32 s1, s0  }
0x34: {  	s0 =	sadd.s32 $0x8F2B, s0  }
0x35: {  	[sflag:s0] =	ssyncadd.remote.s32 $0x1  }
0x36: {  	_ =	sfence.sel $0xFFFF  }
0x37: {  	[dreg:$0x0] =	wrdreg $0xFFFFFFFF;
	(pc) =	sbr.abs _section_cstart, $3  }
0x38: {  	[dreg:$0x1] =	wrdreg $0xFFFFFFFF  }
0x39: {  	_ =	task.clear_ibuf [dreg:s7], $0x2FFFF;
	_ =	strace $0x9FFFFFFF  }
0x3a: {  	(tm) =	ssettm $0x7FFFFFFF  }
0x3b: {  	_ =	shalt  }
tec
execute0_lowered:
.L_overlay_start_1:
0x0: {  	(tag) =	ssettag $0x1  }
0x1: {  	s0 =	srdreg.scid  }
0x2: {  	s1 =	sshll.u32 s0, $0x4  }
0x3: {  	s4 =	rddreg [dreg:$0x0];
	s0 =	stileid.u32;
	s1 =	sand.u32 $0x10, s1  }
0x4: {  	s2 =	rddreg [dreg:$0x1];
	s7 =	simm.s32 $0x1;
	s1 =	sor.u32 s0, s1  }
0x5: {  	s8 =	simm.s32 $0x2;
	s11 =	simm.s32 $0x0;
	s3 =	sshll.u32 s1, $0x7  }
0x6: {  	s10 =	simm.s32 $0x0;
	s4 =	sadd.s32 $0x800, s4;
	s6 =	ssub.s32 $0xC8000, s3  }
.Ltmp0:
0x7: {  	s1 =	rddreg [dreg:$0x2];
	s5 =	sand.u32 $0xF80, s6;
	(pc) =	sbr.rel .LBB1_1-.Ltmp0, $4  }
0x8: {  	_ =	strace $0x8000004A;
	s9 =	smov.u32 s3;
	p0 =	sne.s32 s5, $0x0  }
0x9: {  	s6 =	sshrl.u32 s6, $0xC;
	s5 =	simm.s32 $0x1;
	s7 =	simm.s32 @!p0 $0x0  }
0xa: {  	[sflag:s5] =	ssyncpa.u1 $0x0;
	p0 =	por $0x0, $0x0;
	s6 =	sadd.s32 s7, s6  }
0xb: {  	[sflag:s8] =	ssyncpa.u1 $0x0;
	s8 =	simm.s32 $0x640000;
	s7 =	sadd.s32 $0x1, s6  }
.LBB1_4:
0xc: {  	s14 =	sshll.u32 s11, $0x3  }
0xd: {  	s30 =	sand.u32 $0x7F, s11;
	s15 =	sand.u32 $0xFFFFFC00, s14  }
0xe: {  	s11 =	sor.u32 s30, s15  }
0xf: {  	s15 =	smulhi.u32 $0x51EB851F, s11  }
0x10: {  	s14 =	smulhi.u32 $0x51EB851F, s14  }
0x11: {  	s15 =	sshrl.u32 s15, $0x12  }
0x12: {  	s14 =	sshrl.u32 s14, $0x12;
	s15 =	smul.u32 $0xC8000, s15  }
0x13: {  	s14 =	sand.u32 $0x3F, s14  }
0x14: {  	s14 =	smul.u32 $0x19000, s14;
	s11 =	ssub.s32 s11, s15  }
0x15: {  	[tilespmem:s13+$0x810 ss:$0x81] =	vst.msk $0xffff, v2;
	s15 =	sand.u32 $0x7, s11  }
0x16: {  	[tilespmem:s13+$0x1020 ss:$0x81] =	vst.msk $0xffff, v0;
	s14 =	sadd.s32 s2, s14;
	s11 =	sshrl.u32 s11, $0x3;
	s15 =	sshll.u32 s15, $0x12  }
0x17: {  	[tilespmem:s13+$0x0 ss:$0x81] =	vst.msk $0xffff, v1;
	s11 =	sadd.s32 s11, s14;
	s31 =	sor.u32 $0x400, s15  }
0x18: {  	[hbm4b:s11+s31] =	stream.strided.scatter [tilespmem:s12], [sflag:$0x2], $0x2000, s8, s31, $0x20;
	[tilespmem:$0x8080] =	vst v63  }
.LBB1_5:
0x19: {  	s13 =	sadd.s32 $0x1000, s9  }
0x1a: {  	p2 =	sgt.s32 s13, $0xC7FFF  }
0x1b: {  	s13 =	smov.u32 @p2 s3;
	p2 =	sne.s32 s10, s7  }
.Ltmp1:
0x1c: {  	p1 =	slt.u32 s10, $0x2;
	(pc) =	sbr.rel @!p2 .LBB1_6-.Ltmp1, $4  }
0x1d: {  	s12 =	simm.s32 @!p1 $0x2  }
0x1e: {  	s14 =	sadd.s32 $0x1, s10;
	_ =	swait.ge @!p1 [sflag:s12], $0x2000  }
0x1f: {  	s11 =	smov.u32 s9;
	p0 =	por !p0, !p0;
	[sflag:s12] =	ssyncset.done @!p1 $0x0  }
0x20: {  	s10 =	smov.u32 s14;
	s9 =	smov.u32 s13;
	[sflag:s12] =	ssyncadd.s32 @!p1 $0xFFFFE000  }
.LBB1_1:
0x21: {  	p1 =	sge.u32 s10, s6  }
0x22: {  	s12 =	sand.u32 @!p1 $0x1FFFFFF, s9  }
0x23: {  	s13 =	smulhi.u32 @!p1 $0x147AE15, s12;
	_ =	sdelay $0x1  }
0x24: {  	s13 =	sshrl.u32 @!p1 s13, $0xC  }
0x25: {  	s13 =	smul.u32 @!p1 $0xC8000, s13;
	_ =	sdelay $0x1  }
0x26: {  	s31 =	sadd.s32 $0xFFFFFFFF, s10;
	s14 =	sxor.u32 @!p1 $0xFFFFFFFF, s10;
	s12 =	ssub.s32 @!p1 s12, s13  }
0x27: {  	s15 =	simm.s32 @!p1 $0x80;
	s14 =	sshll.u32 @!p1 s14, $0xD;
	s12 =	sshll.u32 @!p1 s12, $0x4  }
0x28: {  	s13 =	sand.u32 @!p1 $0x2000, s14;
	s14 =	simm.s32 @!p1 $0x40;
	s12 =	sadd.s32 @!p1 s4, s12  }
0x29: {  	[tilespmem:s13], [sflag:$0x1] =	stream.strided.gather @!p1 [hbm4b:s12+s14], $0x2000, s15, s14, $0x38;
	[tilespmem:$0x8080] =	vst v63  }
0x2a: {  	p1 =	sge.u32 s31, s6  }
.Ltmp2:
0x2b: {  	_ = 	snop;
	(pc) =	sbr.rel @p1 .LBB1_5-.Ltmp2, $1  }
0x2c: {  	_ =	sdelay $0x3  }
0x2d: {  	s12 =	simm.s32 $0x1  }
0x2e: {  	_ =	swait.ge [sflag:s5], $0x2000;
	s12 =	simm.s32 @!p0 $0x0  }
0x2f: {  	[sflag:s5] =	ssyncset.done $0x0;
	s13 =	sshll.u32 s12, $0xD  }
0x30: {  	[sflag:s5] =	ssyncadd.s32 $0xFFFFE000;
	s16 =	sor.u32 $0x20, s13  }
0x31: {  	s12 =	smul.u32 $0x8100, s12;
	v3 =	vld [tilespmem:s16+$0x10]  }
0x32: {  	s30 =	sand.u32 $0x1, s10;
	v2 =	vld [tilespmem:s16+$0xFFFFFFF0]  }
0x33: {  	s13 =	smul.u32 $0x8100, s30;
	s12 =	sshrl.u32 s12, $0x2;
	v0 =	vld [tilespmem:s16+$0x0]  }
0x34: {  	v1 =	vld [tilespmem:s16+$0xFFFFFFE0];
	s14 =	sor.u32 $0x4000, s12  }
0x35: {  	s31 =	sshrl.u32 s13, $0x2;
	s13 =	sadd.s32 $0x0, s14  }
0x36: {  	s15 =	simm.s32 $0x4;
	s16 =	sadd.s32 $0x40, s16;
	s12 =	sor.u32 $0x4000, s31;
	[tilespmem:s13+$0x1830 ss:$0x81] =	vst.msk $0xffff, v3  }
.LBB1_3:
0x37: {  	v3 =	vld [tilespmem:s16+$0x10];
	p1 =	sne.s32 s15, $0x1FC;
	[tilespmem:s13+$0x810 ss:$0x81] =	vst.msk $0xffff, v2;
	s17 =	smov.u32 s15;
	s15 =	sadd.s32 $0x4, s15  }
.Ltmp3:
0x38: {  	v2 =	vld [tilespmem:s16+$0xFFFFFFF0];
	[tilespmem:s13+$0x1020 ss:$0x81] =	vst.msk $0xffff, v0;
	(pc) =	sbr.rel @p1 .LBB1_3-.Ltmp3, $4  }
0x39: {  	v0 =	vld [tilespmem:s16+$0x0];
	[tilespmem:s13+$0x0 ss:$0x81] =	vst.msk $0xffff, v1  }
0x3a: {  	s13 =	sshra.s32 s17, $0x2;
	v1 =	vld [tilespmem:s16+$0xFFFFFFE0]  }
0x3b: {  	s13 =	sadd.s32 s13, s14  }
0x3c: {  	s16 =	sadd.s32 $0x40, s16;
	[tilespmem:s13+$0x1830 ss:$0x81] =	vst.msk $0xffff, v3  }
.Ltmp4:
0x3d: {  	_ = 	snop;
	(pc) =	sbr.rel .LBB1_4-.Ltmp4, $1  }
0x3e: {  	_ =	sdelay $0x3  }
.LBB1_6:
0x3f: {  	_ =	sfence.sel $0x180000  }
0x40: {  	s2 =	simm.s32 $0x1;
	[bflag:$0x0] =	sbarrier.arrive $0xFFFF  }
0x41: {  	s31 =	simm.s32 $0x2;
	[sflag:s2] =	ssyncpa.u1 $0x1  }
0x42: {  	[sflag:s31] =	ssyncpa.u1 $0x1  }
0x43: {  	p0 =	sne.s32 s0, $0x0;
	_ =	strace $0x9000004A  }
0x44: {  	s0 =	sadd.s32 @!p0 $0x100000, s1;
	[bflag:$0x2] =	sbarrier.arrive $0xFFFF  }
0x45: {  	[sflag:s0] =	ssyncadd.tile.s32 @!p0 $0x1;
	_ =	shalt  }
.Lfunc_end1:
_tile_overlayer_lowered:
.L_overlay_start_2:
0x46: {  	(tag) =	ssettag $0x2  }
0x47: {  	s0 =	rddreg [dreg:$0x0];
	s2 =	stileid.u32  }
0x48: {  	s1 =	rddreg [dreg:$0x1];
	p0 =	sne.s32 s2, $0x0  }
0x49: {  	s3 =	rddreg [dreg:$0x2];
	[bflag:$0x3] =	sbarrier.arrive $0xFFFF;
	s2 =	simm.s32 @!p0 $0x1C01  }
0x4a: {  	[timem:s3], [sflag:s2] =	dma.local @!p0 [hbm:s0], s1  }
0x4b: {  	s0 =	simm.s32 @!p0 $0x1  }
0x4c: {  	_ =	swait.ge @!p0 [sflag:s0], s1  }
0x4d: {  	s1 =	ssub.s32 @!p0 $0x0, s1;
	[sflag:s0] =	ssyncset.done @!p0 $0x0  }
0x4e: {  	[sflag:s0] =	ssyncadd.s32 @!p0 s1  }
0x4f: {  	[bflag:$0x3] =	sbarrier.arrive $0xFFFF  }
0x50: {  	_ =	shalt  }

</sc_bundles>
